<compile_context>
chip_gen: v7x
topology: tpu7x:2x2x1
jax: 0.10.2.dev20260603
libtpu: 0.0.44.dev20260713+nightly
codegen_flags: <defaults>
</compile_context>

<pallas_src>
import functools

import jax
import jax.numpy as jnp
from jax import lax
from jax.experimental import pallas as pl
from jax.experimental.pallas import tpu as pltpu
from jax.experimental.pallas import tpu_sc as plsc

NC = 2
NS = 16
NW = NC * NS

RW = 16
TK = 1250

_SC_PARAMS = pltpu.CompilerParams(
    use_tc_tiling_on_sc=False, needs_layout_passes=False
)


def _retype_table(table_bf16):
    v, d = table_bf16.shape
    d2 = d // 2
    rows_per_w = v // NW
    n_chunks = rows_per_w // TK
    mesh = plsc.VectorSubcoreMesh(core_axis_name="c", subcore_axis_name="s")

    @functools.partial(
        pl.kernel,
        out_type=jax.ShapeDtypeStruct((v, d2), jnp.int32),
        mesh=mesh,
        scratch_types=[
            pltpu.VMEM((TK, d), jnp.bfloat16),
            pltpu.VMEM((TK, d2), jnp.int32),
        ],
        compiler_params=_SC_PARAMS,
    )
    def body(tab_hbm, out_hbm, bf_v, i32_v):
        wid = lax.axis_index("s") * NC + lax.axis_index("c")
        row_base = wid * rows_per_w

        def chunk_body(g, carry):
            r0 = row_base + g * TK
            pltpu.sync_copy(tab_hbm.at[pl.ds(r0, TK)], bf_v)

            def retype(q, carry2):
                for u in range(5):
                    r = q * 5 + u
                    for k in range(d2 // 16):
                        w = bf_v[r, pl.ds(k * 32, 32)]
                        i32_v[r, pl.ds(k * 16, 16)] = plsc.bitcast(
                            w, jnp.int32
                        )
                return carry2

            lax.fori_loop(0, TK // 5, retype, 0)
            pltpu.sync_copy(i32_v, out_hbm.at[pl.ds(r0, TK)])
            return carry

        lax.fori_loop(0, n_chunks, chunk_body, 0)

    return body(table_bf16)


def _embed_gather(ids, table_i32, *, rows_per_w):
    bsz, seq = ids.shape
    d2 = table_i32.shape[1]
    d = d2 * 2
    n_chunks = rows_per_w // RW
    mesh = plsc.VectorSubcoreMesh(core_axis_name="c", subcore_axis_name="s")

    @functools.partial(
        pl.kernel,
        out_type=jax.ShapeDtypeStruct((bsz, seq, d), jnp.bfloat16),
        mesh=mesh,
        scratch_types=[
            pltpu.VMEM((RW, seq), jnp.int32),
            pltpu.VMEM((RW, seq, d2), jnp.int32),
            pltpu.VMEM((RW, seq, d), jnp.bfloat16),
            pltpu.SemaphoreType.DMA,
        ],
        compiler_params=_SC_PARAMS,
    )
    def body(ids_hbm, table_hbm, out_hbm, idx_v, rows_v, rows_bf, sem):
        wid = lax.axis_index("s") * NC + lax.axis_index("c")
        row_base = wid * rows_per_w

        def chunk_body(g, carry):
            r0 = row_base + g * RW
            pltpu.sync_copy(ids_hbm.at[pl.ds(r0, RW)], idx_v)
            copies = [
                pltpu.async_copy(
                    table_hbm.at[idx_v.at[r]],
                    rows_v.at[r],
                    sem,
                )
                for r in range(RW)
            ]
            for c in copies:
                c.wait()

            def retype(q, carry2):
                r = q // (seq // 5)
                t0 = (q % (seq // 5)) * 5
                for u in range(5):
                    t = t0 + u
                    for k in range(d2 // 16):
                        w = rows_v[r, t, pl.ds(k * 16, 16)]
                        rows_bf[r, t, pl.ds(k * 32, 32)] = plsc.bitcast(
                            w, jnp.bfloat16
                        )
                return carry2

            lax.fori_loop(0, RW * (seq // 5), retype, 0)
            pltpu.sync_copy(rows_bf, out_hbm.at[pl.ds(r0, RW)])
            return carry

        lax.fori_loop(0, n_chunks, chunk_body, 0)

    return body(ids, table_i32)


@functools.partial(jax.jit, static_argnames=("rows_per_w",))
def _embed_call(ids, table_bf16, *, rows_per_w):
    table_i32 = _retype_table(table_bf16)
    return _embed_gather(ids, table_i32, rows_per_w=rows_per_w)


def kernel(input_ids, embedding):
    b, s = input_ids.shape
    v, d = embedding.shape
    assert b % (NW * RW) == 0 and v % (NW * TK) == 0
    return _embed_call(
        input_ids.astype(jnp.int32), embedding, rows_per_w=b // NW
    )

# --- scband reference (transcript-rebuilt; emitter-appended) ---
"""Pipeline reference for scband-embed-67482526154880 (READ-ONLY COPY).

The authoritative reference and input builder live on the scoring server;
editing this copy changes nothing except your own understanding.
"""

import jax, jax.numpy as jnp
import numpy as np

NUM_EMBEDDINGS = 1000000
FEATURES = 64

def setup_inputs(seed: int = 0) -> dict:
    key = jax.random.key(seed)
    k_idx, k_tab = jax.random.split(key)
    input_ids = jax.random.randint(k_idx, (16384, 50), 0, NUM_EMBEDDINGS, dtype=jnp.int64 if jax.config.jax_enable_x64 else jnp.int32)
    embedding = (jax.random.normal(k_tab, (NUM_EMBEDDINGS, FEATURES), dtype=jnp.float32) * 0.02).astype(jnp.bfloat16)
    return {"input_ids": input_ids, "embedding": embedding}

def reference(input_ids, embedding):
    # Faithful translation of Embed.__call__: jnp.take(embedding, input_ids, axis=0)
    return jnp.take(embedding, input_ids, axis=0)

if __name__ == "__main__":
    import jax
    _d = setup_inputs()
    print(jax.jit(kernel)(*tuple(_d.values())))

</pallas_src>

<mosaic_0001>
#map = affine_map<(d0, d1) -> (0, 0)>
module attributes {stable_mosaic.version = 14 : i64} {
  func.func @body(%arg0: i32, %arg1: i32, %arg2: memref<1000000x64xbf16, #tpu.memory_space<hbm>>, %arg3: memref<1000000x32xi32, #tpu.memory_space<hbm>>, %arg4: memref<1250x64xbf16, #tpu.memory_space<vmem>>, %arg5: memref<1250x32xi32, #tpu.memory_space<vmem>>) attributes {dimension_semantics = [#tpu.dimension_semantics<core_parallel>, #tpu.dimension_semantics<subcore_parallel>], iteration_bounds = array<i64: 2, 16>, scalar_prefetch = 0 : i64, scratch_operands = 2 : i64, tpu.core_type = #tpu.core_type<sc_vector_subcore>, window_params = [{transform_indices = #map}, {transform_indices = #map}]} {
    %mul3A = arith.constant 2 : i32
    %mul3A_0 = arith.muli %arg1, %mul3A : i32
    %add3A = arith.addi %mul3A_0, %arg0 : i32
    %mul3A_1 = arith.constant 31250 : i32
    %mul3A_2 = arith.muli %add3A, %mul3A_1 : i32
    %scan3A = arith.constant 0 : i32
    %scan3A_3 = arith.constant 0 : i32
    %scan3A_4 = arith.constant 25 : i32
    %scan3A_5 = arith.addi %scan3A_3, %scan3A_4 : i32
    %scan3A_6 = arith.constant 1 : i32
    scf.for %scan3A_8 = %scan3A_3 to %scan3A_5 step %scan3A_6  : i32 {
      %mul3A_9 = arith.constant 1250 : i32
      %mul3A_10 = arith.muli %scan3A_8, %mul3A_9 : i32
      %add3A_11 = arith.addi %mul3A_2, %mul3A_10 : i32
      "tpu.region"() ({
        %run_scoped3A = tpu.sem_alloc : memref<!tpu.dma_semaphore, #tpu.memory_space<semaphore_mem>>
        %dma_start3A = arith.constant 0 : i32
        %dma_start3A_18 = tpu.memref_slice %arg2[%add3A_11, %dma_start3A] : memref<1000000x64xbf16, #tpu.memory_space<hbm>> -> memref<1250x64xbf16, #tpu.memory_space<hbm>>
        %dma_start3A_19 = arith.constant 0 : i32
        %dma_start3A_20 = tpu.memref_slice %arg2[%add3A_11, %dma_start3A_19] : memref<1000000x64xbf16, #tpu.memory_space<hbm>> -> memref<1250x64xbf16, #tpu.memory_space<hbm>>
        tpu.enqueue_dma source(%dma_start3A_20 : memref<1250x64xbf16, #tpu.memory_space<hbm>>) target(%arg4 : memref<1250x64xbf16, #tpu.memory_space<vmem>>) target_semaphore(%run_scoped3A : memref<!tpu.dma_semaphore, #tpu.memory_space<semaphore_mem>>)
        %dma_wait3A = arith.constant 0 : i32
        %dma_wait3A_21 = tpu.memref_slice %arg2[%add3A_11, %dma_wait3A] : memref<1000000x64xbf16, #tpu.memory_space<hbm>> -> memref<1250x64xbf16, #tpu.memory_space<hbm>>
        %dma_wait3A_22 = arith.constant 0 : i32
        %dma_wait3A_23 = tpu.memref_slice %arg2[%add3A_11, %dma_wait3A_22] : memref<1000000x64xbf16, #tpu.memory_space<hbm>> -> memref<1250x64xbf16, #tpu.memory_space<hbm>>
        tpu.wait_dma2 semaphore(%run_scoped3A : memref<!tpu.dma_semaphore, #tpu.memory_space<semaphore_mem>>) src(%dma_wait3A_23 : memref<1250x64xbf16, #tpu.memory_space<hbm>>) dst(%arg4 : memref<1250x64xbf16, #tpu.memory_space<vmem>>)
        tpu.yield
      }) : () -> ()
      %scan3A_12 = arith.constant 0 : i32
      %scan3A_13 = arith.constant 0 : i32
      %scan3A_14 = arith.constant 250 : i32
      %scan3A_15 = arith.addi %scan3A_13, %scan3A_14 : i32
      %scan3A_16 = arith.constant 1 : i32
      scf.for %scan3A_18 = %scan3A_13 to %scan3A_15 step %scan3A_16  : i32 {
        %mul3A_19 = arith.constant 5 : i32
        %mul3A_20 = arith.muli %scan3A_18, %mul3A_19 : i32
        %add3A_21 = arith.constant 0 : i32
        %add3A_22 = arith.addi %mul3A_20, %add3A_21 : i32
        %get3A = arith.index_cast %add3A_22 : i32 to index
        %get3A_23 = arith.constant 0 : index
        %get3A_24 = tpu.vector_load %arg4[%get3A, %get3A_23] {strides = array<i32>} : memref<1250x64xbf16, #tpu.memory_space<vmem>>, vector<32xbf16>,
        %bitcast3A = vector.bitcast %get3A_24 : vector<32xbf16> to vector<16xi32>
        %swap3A = arith.index_cast %add3A_22 : i32 to index
        %swap3A_25 = arith.constant 0 : index
        %swap3A_26 = tpu.vector_load %arg5[%swap3A, %swap3A_25] {strides = array<i32>} : memref<1250x32xi32, #tpu.memory_space<vmem>>, vector<16xi32>,
        tpu.vector_store %arg5[%swap3A, %swap3A_25], %bitcast3A {strides = array<i32>} : memref<1250x32xi32, #tpu.memory_space<vmem>>, vector<16xi32>,
        %get3A_27 = arith.index_cast %add3A_22 : i32 to index
        %get3A_28 = arith.constant 32 : index
        %get3A_29 = tpu.vector_load %arg4[%get3A_27, %get3A_28] {strides = array<i32>} : memref<1250x64xbf16, #tpu.memory_space<vmem>>, vector<32xbf16>,
        %bitcast3A_30 = vector.bitcast %get3A_29 : vector<32xbf16> to vector<16xi32>
        %swap3A_31 = arith.index_cast %add3A_22 : i32 to index
        %swap3A_32 = arith.constant 16 : index
        %swap3A_33 = tpu.vector_load %arg5[%swap3A_31, %swap3A_32] {strides = array<i32>} : memref<1250x32xi32, #tpu.memory_space<vmem>>, vector<16xi32>,
        tpu.vector_store %arg5[%swap3A_31, %swap3A_32], %bitcast3A_30 {strides = array<i32>} : memref<1250x32xi32, #tpu.memory_space<vmem>>, vector<16xi32>,
        %mul3A_34 = arith.constant 5 : i32
        %mul3A_35 = arith.muli %scan3A_18, %mul3A_34 : i32
        %add3A_36 = arith.constant 1 : i32
        %add3A_37 = arith.addi %mul3A_35, %add3A_36 : i32
        %get3A_38 = arith.index_cast %add3A_37 : i32 to index
        %get3A_39 = arith.constant 0 : index
        %get3A_40 = tpu.vector_load %arg4[%get3A_38, %get3A_39] {strides = array<i32>} : memref<1250x64xbf16, #tpu.memory_space<vmem>>, vector<32xbf16>,
        %bitcast3A_41 = vector.bitcast %get3A_40 : vector<32xbf16> to vector<16xi32>
        %swap3A_42 = arith.index_cast %add3A_37 : i32 to index
        %swap3A_43 = arith.constant 0 : index
        %swap3A_44 = tpu.vector_load %arg5[%swap3A_42, %swap3A_43] {strides = array<i32>} : memref<1250x32xi32, #tpu.memory_space<vmem>>, vector<16xi32>,
        tpu.vector_store %arg5[%swap3A_42, %swap3A_43], %bitcast3A_41 {strides = array<i32>} : memref<1250x32xi32, #tpu.memory_space<vmem>>, vector<16xi32>,
        %get3A_45 = arith.index_cast %add3A_37 : i32 to index
        %get3A_46 = arith.constant 32 : index
        %get3A_47 = tpu.vector_load %arg4[%get3A_45, %get3A_46] {strides = array<i32>} : memref<1250x64xbf16, #tpu.memory_space<vmem>>, vector<32xbf16>,
        %bitcast3A_48 = vector.bitcast %get3A_47 : vector<32xbf16> to vector<16xi32>
        %swap3A_49 = arith.index_cast %add3A_37 : i32 to index
        %swap3A_50 = arith.constant 16 : index
        %swap3A_51 = tpu.vector_load %arg5[%swap3A_49, %swap3A_50] {strides = array<i32>} : memref<1250x32xi32, #tpu.memory_space<vmem>>, vector<16xi32>,
        tpu.vector_store %arg5[%swap3A_49, %swap3A_50], %bitcast3A_48 {strides = array<i32>} : memref<1250x32xi32, #tpu.memory_space<vmem>>, vector<16xi32>,
        %mul3A_52 = arith.constant 5 : i32
        %mul3A_53 = arith.muli %scan3A_18, %mul3A_52 : i32
        %add3A_54 = arith.constant 2 : i32
        %add3A_55 = arith.addi %mul3A_53, %add3A_54 : i32
        %get3A_56 = arith.index_cast %add3A_55 : i32 to index
        %get3A_57 = arith.constant 0 : index
        %get3A_58 = tpu.vector_load %arg4[%get3A_56, %get3A_57] {strides = array<i32>} : memref<1250x64xbf16, #tpu.memory_space<vmem>>, vector<32xbf16>,
        %bitcast3A_59 = vector.bitcast %get3A_58 : vector<32xbf16> to vector<16xi32>
        %swap3A_60 = arith.index_cast %add3A_55 : i32 to index
        %swap3A_61 = arith.constant 0 : index
        %swap3A_62 = tpu.vector_load %arg5[%swap3A_60, %swap3A_61] {strides = array<i32>} : memref<1250x32xi32, #tpu.memory_space<vmem>>, vector<16xi32>,
        tpu.vector_store %arg5[%swap3A_60, %swap3A_61], %bitcast3A_59 {strides = array<i32>} : memref<1250x32xi32, #tpu.memory_space<vmem>>, vector<16xi32>,
        %get3A_63 = arith.index_cast %add3A_55 : i32 to index
        %get3A_64 = arith.constant 32 : index
        %get3A_65 = tpu.vector_load %arg4[%get3A_63, %get3A_64] {strides = array<i32>} : memref<1250x64xbf16, #tpu.memory_space<vmem>>, vector<32xbf16>,
        %bitcast3A_66 = vector.bitcast %get3A_65 : vector<32xbf16> to vector<16xi32>
        %swap3A_67 = arith.index_cast %add3A_55 : i32 to index
        %swap3A_68 = arith.constant 16 : index
        %swap3A_69 = tpu.vector_load %arg5[%swap3A_67, %swap3A_68] {strides = array<i32>} : memref<1250x32xi32, #tpu.memory_space<vmem>>, vector<16xi32>,
        tpu.vector_store %arg5[%swap3A_67, %swap3A_68], %bitcast3A_66 {strides = array<i32>} : memref<1250x32xi32, #tpu.memory_space<vmem>>, vector<16xi32>,
        %mul3A_70 = arith.constant 5 : i32
        %mul3A_71 = arith.muli %scan3A_18, %mul3A_70 : i32
        %add3A_72 = arith.constant 3 : i32
        %add3A_73 = arith.addi %mul3A_71, %add3A_72 : i32
        %get3A_74 = arith.index_cast %add3A_73 : i32 to index
        %get3A_75 = arith.constant 0 : index
        %get3A_76 = tpu.vector_load %arg4[%get3A_74, %get3A_75] {strides = array<i32>} : memref<1250x64xbf16, #tpu.memory_space<vmem>>, vector<32xbf16>,
        %bitcast3A_77 = vector.bitcast %get3A_76 : vector<32xbf16> to vector<16xi32>
        %swap3A_78 = arith.index_cast %add3A_73 : i32 to index
        %swap3A_79 = arith.constant 0 : index
        %swap3A_80 = tpu.vector_load %arg5[%swap3A_78, %swap3A_79] {strides = array<i32>} : memref<1250x32xi32, #tpu.memory_space<vmem>>, vector<16xi32>,
        tpu.vector_store %arg5[%swap3A_78, %swap3A_79], %bitcast3A_77 {strides = array<i32>} : memref<1250x32xi32, #tpu.memory_space<vmem>>, vector<16xi32>,
        %get3A_81 = arith.index_cast %add3A_73 : i32 to index
        %get3A_82 = arith.constant 32 : index
        %get3A_83 = tpu.vector_load %arg4[%get3A_81, %get3A_82] {strides = array<i32>} : memref<1250x64xbf16, #tpu.memory_space<vmem>>, vector<32xbf16>,
        %bitcast3A_84 = vector.bitcast %get3A_83 : vector<32xbf16> to vector<16xi32>
        %swap3A_85 = arith.index_cast %add3A_73 : i32 to index
        %swap3A_86 = arith.constant 16 : index
        %swap3A_87 = tpu.vector_load %arg5[%swap3A_85, %swap3A_86] {strides = array<i32>} : memref<1250x32xi32, #tpu.memory_space<vmem>>, vector<16xi32>,
        tpu.vector_store %arg5[%swap3A_85, %swap3A_86], %bitcast3A_84 {strides = array<i32>} : memref<1250x32xi32, #tpu.memory_space<vmem>>, vector<16xi32>,
        %mul3A_88 = arith.constant 5 : i32
        %mul3A_89 = arith.muli %scan3A_18, %mul3A_88 : i32
        %add3A_90 = arith.constant 4 : i32
        %add3A_91 = arith.addi %mul3A_89, %add3A_90 : i32
        %get3A_92 = arith.index_cast %add3A_91 : i32 to index
        %get3A_93 = arith.constant 0 : index
        %get3A_94 = tpu.vector_load %arg4[%get3A_92, %get3A_93] {strides = array<i32>} : memref<1250x64xbf16, #tpu.memory_space<vmem>>, vector<32xbf16>,
        %bitcast3A_95 = vector.bitcast %get3A_94 : vector<32xbf16> to vector<16xi32>
        %swap3A_96 = arith.index_cast %add3A_91 : i32 to index
        %swap3A_97 = arith.constant 0 : index
        %swap3A_98 = tpu.vector_load %arg5[%swap3A_96, %swap3A_97] {strides = array<i32>} : memref<1250x32xi32, #tpu.memory_space<vmem>>, vector<16xi32>,
        tpu.vector_store %arg5[%swap3A_96, %swap3A_97], %bitcast3A_95 {strides = array<i32>} : memref<1250x32xi32, #tpu.memory_space<vmem>>, vector<16xi32>,
        %get3A_99 = arith.index_cast %add3A_91 : i32 to index
        %get3A_100 = arith.constant 32 : index
        %get3A_101 = tpu.vector_load %arg4[%get3A_99, %get3A_100] {strides = array<i32>} : memref<1250x64xbf16, #tpu.memory_space<vmem>>, vector<32xbf16>,
        %bitcast3A_102 = vector.bitcast %get3A_101 : vector<32xbf16> to vector<16xi32>
        %swap3A_103 = arith.index_cast %add3A_91 : i32 to index
        %swap3A_104 = arith.constant 16 : index
        %swap3A_105 = tpu.vector_load %arg5[%swap3A_103, %swap3A_104] {strides = array<i32>} : memref<1250x32xi32, #tpu.memory_space<vmem>>, vector<16xi32>,
        tpu.vector_store %arg5[%swap3A_103, %swap3A_104], %bitcast3A_102 {strides = array<i32>} : memref<1250x32xi32, #tpu.memory_space<vmem>>, vector<16xi32>,
      }
      %scan3A_17 = arith.constant 250 : i32
      "tpu.region"() ({
        %run_scoped3A = tpu.sem_alloc : memref<!tpu.dma_semaphore, #tpu.memory_space<semaphore_mem>>
        %dma_start3A = arith.constant 0 : i32
        %dma_start3A_18 = tpu.memref_slice %arg3[%add3A_11, %dma_start3A] : memref<1000000x32xi32, #tpu.memory_space<hbm>> -> memref<1250x32xi32, #tpu.memory_space<hbm>>
        %dma_start3A_19 = arith.constant 0 : i32
        %dma_start3A_20 = tpu.memref_slice %arg3[%add3A_11, %dma_start3A_19] : memref<1000000x32xi32, #tpu.memory_space<hbm>> -> memref<1250x32xi32, #tpu.memory_space<hbm>>
        tpu.enqueue_dma source(%arg5 : memref<1250x32xi32, #tpu.memory_space<vmem>>) target(%dma_start3A_20 : memref<1250x32xi32, #tpu.memory_space<hbm>>) target_semaphore(%run_scoped3A : memref<!tpu.dma_semaphore, #tpu.memory_space<semaphore_mem>>)
        %dma_wait3A = arith.constant 0 : i32
        %dma_wait3A_21 = tpu.memref_slice %arg3[%add3A_11, %dma_wait3A] : memref<1000000x32xi32, #tpu.memory_space<hbm>> -> memref<1250x32xi32, #tpu.memory_space<hbm>>
        %dma_wait3A_22 = arith.constant 0 : i32
        %dma_wait3A_23 = tpu.memref_slice %arg3[%add3A_11, %dma_wait3A_22] : memref<1000000x32xi32, #tpu.memory_space<hbm>> -> memref<1250x32xi32, #tpu.memory_space<hbm>>
        tpu.wait_dma2 semaphore(%run_scoped3A : memref<!tpu.dma_semaphore, #tpu.memory_space<semaphore_mem>>) src(%arg5 : memref<1250x32xi32, #tpu.memory_space<vmem>>) dst(%dma_wait3A_23 : memref<1250x32xi32, #tpu.memory_space<hbm>>)
        tpu.yield
      }) : () -> ()
    }
    %scan3A_7 = arith.constant 25 : i32
    return
  }
}

#map = affine_map<(d0, d1) -> (0, 0)>
#map1 = affine_map<(d0, d1) -> (0, 0, 0)>
module attributes {stable_mosaic.version = 14 : i64} {
  func.func @body(%arg0: i32, %arg1: i32, %arg2: memref<16384x50xi32, #tpu.memory_space<hbm>>, %arg3: memref<1000000x32xi32, #tpu.memory_space<hbm>>, %arg4: memref<16384x50x64xbf16, #tpu.memory_space<hbm>>, %arg5: memref<16x50xi32, #tpu.memory_space<vmem>>, %arg6: memref<16x50x32xi32, #tpu.memory_space<vmem>>, %arg7: memref<16x50x64xbf16, #tpu.memory_space<vmem>>, %arg8: memref<!tpu.dma_semaphore, #tpu.memory_space<semaphore_mem>>) attributes {dimension_semantics = [#tpu.dimension_semantics<core_parallel>, #tpu.dimension_semantics<subcore_parallel>], iteration_bounds = array<i64: 2, 16>, scalar_prefetch = 0 : i64, scratch_operands = 4 : i64, tpu.core_type = #tpu.core_type<sc_vector_subcore>, window_params = [{transform_indices = #map}, {transform_indices = #map}, {transform_indices = #map1}]} {
    %mul3A = arith.constant 2 : i32
    %mul3A_0 = arith.muli %arg1, %mul3A : i32
    %add3A = arith.addi %mul3A_0, %arg0 : i32
    %mul3A_1 = arith.constant 512 : i32
    %mul3A_2 = arith.muli %add3A, %mul3A_1 : i32
    %scan3A = arith.constant 0 : i32
    %scan3A_3 = arith.constant 0 : i32
    %scan3A_4 = arith.constant 32 : i32
    %scan3A_5 = arith.addi %scan3A_3, %scan3A_4 : i32
    %scan3A_6 = arith.constant 1 : i32
    scf.for %scan3A_8 = %scan3A_3 to %scan3A_5 step %scan3A_6  : i32 {
      %mul3A_9 = arith.constant 16 : i32
      %mul3A_10 = arith.muli %scan3A_8, %mul3A_9 : i32
      %add3A_11 = arith.addi %mul3A_2, %mul3A_10 : i32
      "tpu.region"() ({
        %run_scoped3A = tpu.sem_alloc : memref<!tpu.dma_semaphore, #tpu.memory_space<semaphore_mem>>
        %dma_start3A_400 = arith.constant 0 : i32
        %dma_start3A_401 = tpu.memref_slice %arg2[%add3A_11, %dma_start3A_400] : memref<16384x50xi32, #tpu.memory_space<hbm>> -> memref<16x50xi32, #tpu.memory_space<hbm>>
        %dma_start3A_402 = arith.constant 0 : i32
        %dma_start3A_403 = tpu.memref_slice %arg2[%add3A_11, %dma_start3A_402] : memref<16384x50xi32, #tpu.memory_space<hbm>> -> memref<16x50xi32, #tpu.memory_space<hbm>>
        tpu.enqueue_dma source(%dma_start3A_403 : memref<16x50xi32, #tpu.memory_space<hbm>>) target(%arg5 : memref<16x50xi32, #tpu.memory_space<vmem>>) target_semaphore(%run_scoped3A : memref<!tpu.dma_semaphore, #tpu.memory_space<semaphore_mem>>)
        %dma_wait3A_404 = arith.constant 0 : i32
        %dma_wait3A_405 = tpu.memref_slice %arg2[%add3A_11, %dma_wait3A_404] : memref<16384x50xi32, #tpu.memory_space<hbm>> -> memref<16x50xi32, #tpu.memory_space<hbm>>
        %dma_wait3A_406 = arith.constant 0 : i32
        %dma_wait3A_407 = tpu.memref_slice %arg2[%add3A_11, %dma_wait3A_406] : memref<16384x50xi32, #tpu.memory_space<hbm>> -> memref<16x50xi32, #tpu.memory_space<hbm>>
        tpu.wait_dma2 semaphore(%run_scoped3A : memref<!tpu.dma_semaphore, #tpu.memory_space<semaphore_mem>>) src(%dma_wait3A_407 : memref<16x50xi32, #tpu.memory_space<hbm>>) dst(%arg5 : memref<16x50xi32, #tpu.memory_space<vmem>>)
        tpu.yield
      }) : () -> ()
      %dma_start3A = arith.constant 0 : i32
      %dma_start3A_12 = arith.constant 0 : i32
      %dma_start3A_13 = arith.constant 0 : i32
      %dma_start3A_14 = arith.constant 0 : i32
      %dma_start3A_15 = tpu.memref_slice %arg6[%dma_start3A_12, %dma_start3A_13, %dma_start3A_14] : memref<16x50x32xi32, #tpu.memory_space<vmem>> -> memref<1x50x32xi32, #tpu.memory_space<vmem>>
      %dma_start3A_16 = tpu.memref_squeeze %dma_start3A_15 : memref<1x50x32xi32, #tpu.memory_space<vmem>> -> memref<50x32xi32, #tpu.memory_space<vmem>>
      %dma_start3A_17 = arith.constant 0 : i32
      %dma_start3A_18 = tpu.memref_slice %arg5[%dma_start3A, %dma_start3A_17] : memref<16x50xi32, #tpu.memory_space<vmem>> -> memref<1x50xi32, #tpu.memory_space<vmem>>
      %dma_start3A_19 = tpu.memref_squeeze %dma_start3A_18 : memref<1x50xi32, #tpu.memory_space<vmem>> -> memref<50xi32, #tpu.memory_space<vmem>>
      %dma_start3A_20 = arith.constant 0 : i32
      %dma_start3A_21 = arith.constant 0 : i32
      %dma_start3A_22 = tpu.memref_slice %arg3[%dma_start3A_20, %dma_start3A_21] : memref<1000000x32xi32, #tpu.memory_space<hbm>> -> memref<1000000x32xi32, #tpu.memory_space<hbm>>
      tpu.enqueue_indirect_dma source(%dma_start3A_22 : memref<1000000x32xi32, #tpu.memory_space<hbm>>) target(%dma_start3A_16 : memref<50x32xi32, #tpu.memory_space<vmem>>) offsets(%dma_start3A_19 : memref<50xi32, #tpu.memory_space<vmem>>) semaphore(%arg8 : memref<!tpu.dma_semaphore, #tpu.memory_space<semaphore_mem>>)
      %dma_start3A_23 = arith.constant 1 : i32
      %dma_start3A_24 = arith.constant 1 : i32
      %dma_start3A_25 = arith.constant 0 : i32
      %dma_start3A_26 = arith.constant 0 : i32
      %dma_start3A_27 = tpu.memref_slice %arg6[%dma_start3A_24, %dma_start3A_25, %dma_start3A_26] : memref<16x50x32xi32, #tpu.memory_space<vmem>> -> memref<1x50x32xi32, #tpu.memory_space<vmem>>
      %dma_start3A_28 = tpu.memref_squeeze %dma_start3A_27 : memref<1x50x32xi32, #tpu.memory_space<vmem>> -> memref<50x32xi32, #tpu.memory_space<vmem>>
      %dma_start3A_29 = arith.constant 0 : i32
      %dma_start3A_30 = tpu.memref_slice %arg5[%dma_start3A_23, %dma_start3A_29] : memref<16x50xi32, #tpu.memory_space<vmem>> -> memref<1x50xi32, #tpu.memory_space<vmem>>
      %dma_start3A_31 = tpu.memref_squeeze %dma_start3A_30 : memref<1x50xi32, #tpu.memory_space<vmem>> -> memref<50xi32, #tpu.memory_space<vmem>>
      %dma_start3A_32 = arith.constant 0 : i32
      %dma_start3A_33 = arith.constant 0 : i32
      %dma_start3A_34 = tpu.memref_slice %arg3[%dma_start3A_32, %dma_start3A_33] : memref<1000000x32xi32, #tpu.memory_space<hbm>> -> memref<1000000x32xi32, #tpu.memory_space<hbm>>
      tpu.enqueue_indirect_dma source(%dma_start3A_34 : memref<1000000x32xi32, #tpu.memory_space<hbm>>) target(%dma_start3A_28 : memref<50x32xi32, #tpu.memory_space<vmem>>) offsets(%dma_start3A_31 : memref<50xi32, #tpu.memory_space<vmem>>) semaphore(%arg8 : memref<!tpu.dma_semaphore, #tpu.memory_space<semaphore_mem>>)
      %dma_start3A_35 = arith.constant 2 : i32
      %dma_start3A_36 = arith.constant 2 : i32
      %dma_start3A_37 = arith.constant 0 : i32
      %dma_start3A_38 = arith.constant 0 : i32
      %dma_start3A_39 = tpu.memref_slice %arg6[%dma_start3A_36, %dma_start3A_37, %dma_start3A_38] : memref<16x50x32xi32, #tpu.memory_space<vmem>> -> memref<1x50x32xi32, #tpu.memory_space<vmem>>
      %dma_start3A_40 = tpu.memref_squeeze %dma_start3A_39 : memref<1x50x32xi32, #tpu.memory_space<vmem>> -> memref<50x32xi32, #tpu.memory_space<vmem>>
      %dma_start3A_41 = arith.constant 0 : i32
      %dma_start3A_42 = tpu.memref_slice %arg5[%dma_start3A_35, %dma_start3A_41] : memref<16x50xi32, #tpu.memory_space<vmem>> -> memref<1x50xi32, #tpu.memory_space<vmem>>
      %dma_start3A_43 = tpu.memref_squeeze %dma_start3A_42 : memref<1x50xi32, #tpu.memory_space<vmem>> -> memref<50xi32, #tpu.memory_space<vmem>>
      %dma_start3A_44 = arith.constant 0 : i32
      %dma_start3A_45 = arith.constant 0 : i32
      %dma_start3A_46 = tpu.memref_slice %arg3[%dma_start3A_44, %dma_start3A_45] : memref<1000000x32xi32, #tpu.memory_space<hbm>> -> memref<1000000x32xi32, #tpu.memory_space<hbm>>
      tpu.enqueue_indirect_dma source(%dma_start3A_46 : memref<1000000x32xi32, #tpu.memory_space<hbm>>) target(%dma_start3A_40 : memref<50x32xi32, #tpu.memory_space<vmem>>) offsets(%dma_start3A_43 : memref<50xi32, #tpu.memory_space<vmem>>) semaphore(%arg8 : memref<!tpu.dma_semaphore, #tpu.memory_space<semaphore_mem>>)
      %dma_start3A_47 = arith.constant 3 : i32
      %dma_start3A_48 = arith.constant 3 : i32
      %dma_start3A_49 = arith.constant 0 : i32
      %dma_start3A_50 = arith.constant 0 : i32
      %dma_start3A_51 = tpu.memref_slice %arg6[%dma_start3A_48, %dma_start3A_49, %dma_start3A_50] : memref<16x50x32xi32, #tpu.memory_space<vmem>> -> memref<1x50x32xi32, #tpu.memory_space<vmem>>
      %dma_start3A_52 = tpu.memref_squeeze %dma_start3A_51 : memref<1x50x32xi32, #tpu.memory_space<vmem>> -> memref<50x32xi32, #tpu.memory_space<vmem>>
      %dma_start3A_53 = arith.constant 0 : i32
      %dma_start3A_54 = tpu.memref_slice %arg5[%dma_start3A_47, %dma_start3A_53] : memref<16x50xi32, #tpu.memory_space<vmem>> -> memref<1x50xi32, #tpu.memory_space<vmem>>
      %dma_start3A_55 = tpu.memref_squeeze %dma_start3A_54 : memref<1x50xi32, #tpu.memory_space<vmem>> -> memref<50xi32, #tpu.memory_space<vmem>>
      %dma_start3A_56 = arith.constant 0 : i32
      %dma_start3A_57 = arith.constant 0 : i32
      %dma_start3A_58 = tpu.memref_slice %arg3[%dma_start3A_56, %dma_start3A_57] : memref<1000000x32xi32, #tpu.memory_space<hbm>> -> memref<1000000x32xi32, #tpu.memory_space<hbm>>
      tpu.enqueue_indirect_dma source(%dma_start3A_58 : memref<1000000x32xi32, #tpu.memory_space<hbm>>) target(%dma_start3A_52 : memref<50x32xi32, #tpu.memory_space<vmem>>) offsets(%dma_start3A_55 : memref<50xi32, #tpu.memory_space<vmem>>) semaphore(%arg8 : memref<!tpu.dma_semaphore, #tpu.memory_space<semaphore_mem>>)
      %dma_start3A_59 = arith.constant 4 : i32
      %dma_start3A_60 = arith.constant 4 : i32
      %dma_start3A_61 = arith.constant 0 : i32
      %dma_start3A_62 = arith.constant 0 : i32
      %dma_start3A_63 = tpu.memref_slice %arg6[%dma_start3A_60, %dma_start3A_61, %dma_start3A_62] : memref<16x50x32xi32, #tpu.memory_space<vmem>> -> memref<1x50x32xi32, #tpu.memory_space<vmem>>
      %dma_start3A_64 = tpu.memref_squeeze %dma_start3A_63 : memref<1x50x32xi32, #tpu.memory_space<vmem>> -> memref<50x32xi32, #tpu.memory_space<vmem>>
      %dma_start3A_65 = arith.constant 0 : i32
      %dma_start3A_66 = tpu.memref_slice %arg5[%dma_start3A_59, %dma_start3A_65] : memref<16x50xi32, #tpu.memory_space<vmem>> -> memref<1x50xi32, #tpu.memory_space<vmem>>
      %dma_start3A_67 = tpu.memref_squeeze %dma_start3A_66 : memref<1x50xi32, #tpu.memory_space<vmem>> -> memref<50xi32, #tpu.memory_space<vmem>>
      %dma_start3A_68 = arith.constant 0 : i32
      %dma_start3A_69 = arith.constant 0 : i32
      %dma_start3A_70 = tpu.memref_slice %arg3[%dma_start3A_68, %dma_start3A_69] : memref<1000000x32xi32, #tpu.memory_space<hbm>> -> memref<1000000x32xi32, #tpu.memory_space<hbm>>
      tpu.enqueue_indirect_dma source(%dma_start3A_70 : memref<1000000x32xi32, #tpu.memory_space<hbm>>) target(%dma_start3A_64 : memref<50x32xi32, #tpu.memory_space<vmem>>) offsets(%dma_start3A_67 : memref<50xi32, #tpu.memory_space<vmem>>) semaphore(%arg8 : memref<!tpu.dma_semaphore, #tpu.memory_space<semaphore_mem>>)
      %dma_start3A_71 = arith.constant 5 : i32
      %dma_start3A_72 = arith.constant 5 : i32
      %dma_start3A_73 = arith.constant 0 : i32
      %dma_start3A_74 = arith.constant 0 : i32
      %dma_start3A_75 = tpu.memref_slice %arg6[%dma_start3A_72, %dma_start3A_73, %dma_start3A_74] : memref<16x50x32xi32, #tpu.memory_space<vmem>> -> memref<1x50x32xi32, #tpu.memory_space<vmem>>
      %dma_start3A_76 = tpu.memref_squeeze %dma_start3A_75 : memref<1x50x32xi32, #tpu.memory_space<vmem>> -> memref<50x32xi32, #tpu.memory_space<vmem>>
      %dma_start3A_77 = arith.constant 0 : i32
      %dma_start3A_78 = tpu.memref_slice %arg5[%dma_start3A_71, %dma_start3A_77] : memref<16x50xi32, #tpu.memory_space<vmem>> -> memref<1x50xi32, #tpu.memory_space<vmem>>
      %dma_start3A_79 = tpu.memref_squeeze %dma_start3A_78 : memref<1x50xi32, #tpu.memory_space<vmem>> -> memref<50xi32, #tpu.memory_space<vmem>>
      %dma_start3A_80 = arith.constant 0 : i32
      %dma_start3A_81 = arith.constant 0 : i32
      %dma_start3A_82 = tpu.memref_slice %arg3[%dma_start3A_80, %dma_start3A_81] : memref<1000000x32xi32, #tpu.memory_space<hbm>> -> memref<1000000x32xi32, #tpu.memory_space<hbm>>
      tpu.enqueue_indirect_dma source(%dma_start3A_82 : memref<1000000x32xi32, #tpu.memory_space<hbm>>) target(%dma_start3A_76 : memref<50x32xi32, #tpu.memory_space<vmem>>) offsets(%dma_start3A_79 : memref<50xi32, #tpu.memory_space<vmem>>) semaphore(%arg8 : memref<!tpu.dma_semaphore, #tpu.memory_space<semaphore_mem>>)
      %dma_start3A_83 = arith.constant 6 : i32
      %dma_start3A_84 = arith.constant 6 : i32
      %dma_start3A_85 = arith.constant 0 : i32
      %dma_start3A_86 = arith.constant 0 : i32
      %dma_start3A_87 = tpu.memref_slice %arg6[%dma_start3A_84, %dma_start3A_85, %dma_start3A_86] : memref<16x50x32xi32, #tpu.memory_space<vmem>> -> memref<1x50x32xi32, #tpu.memory_space<vmem>>
      %dma_start3A_88 = tpu.memref_squeeze %dma_start3A_87 : memref<1x50x32xi32, #tpu.memory_space<vmem>> -> memref<50x32xi32, #tpu.memory_space<vmem>>
      %dma_start3A_89 = arith.constant 0 : i32
      %dma_start3A_90 = tpu.memref_slice %arg5[%dma_start3A_83, %dma_start3A_89] : memref<16x50xi32, #tpu.memory_space<vmem>> -> memref<1x50xi32, #tpu.memory_space<vmem>>
      %dma_start3A_91 = tpu.memref_squeeze %dma_start3A_90 : memref<1x50xi32, #tpu.memory_space<vmem>> -> memref<50xi32, #tpu.memory_space<vmem>>
      %dma_start3A_92 = arith.constant 0 : i32
      %dma_start3A_93 = arith.constant 0 : i32
      %dma_start3A_94 = tpu.memref_slice %arg3[%dma_start3A_92, %dma_start3A_93] : memref<1000000x32xi32, #tpu.memory_space<hbm>> -> memref<1000000x32xi32, #tpu.memory_space<hbm>>
      tpu.enqueue_indirect_dma source(%dma_start3A_94 : memref<1000000x32xi32, #tpu.memory_space<hbm>>) target(%dma_start3A_88 : memref<50x32xi32, #tpu.memory_space<vmem>>) offsets(%dma_start3A_91 : memref<50xi32, #tpu.memory_space<vmem>>) semaphore(%arg8 : memref<!tpu.dma_semaphore, #tpu.memory_space<semaphore_mem>>)
      %dma_start3A_95 = arith.constant 7 : i32
      %dma_start3A_96 = arith.constant 7 : i32
      %dma_start3A_97 = arith.constant 0 : i32
      %dma_start3A_98 = arith.constant 0 : i32
      %dma_start3A_99 = tpu.memref_slice %arg6[%dma_start3A_96, %dma_start3A_97, %dma_start3A_98] : memref<16x50x32xi32, #tpu.memory_space<vmem>> -> memref<1x50x32xi32, #tpu.memory_space<vmem>>
      %dma_start3A_100 = tpu.memref_squeeze %dma_start3A_99 : memref<1x50x32xi32, #tpu.memory_space<vmem>> -> memref<50x32xi32, #tpu.memory_space<vmem>>
      %dma_start3A_101 = arith.constant 0 : i32
      %dma_start3A_102 = tpu.memref_slice %arg5[%dma_start3A_95, %dma_start3A_101] : memref<16x50xi32, #tpu.memory_space<vmem>> -> memref<1x50xi32, #tpu.memory_space<vmem>>
      %dma_start3A_103 = tpu.memref_squeeze %dma_start3A_102 : memref<1x50xi32, #tpu.memory_space<vmem>> -> memref<50xi32, #tpu.memory_space<vmem>>
      %dma_start3A_104 = arith.constant 0 : i32
      %dma_start3A_105 = arith.constant 0 : i32
      %dma_start3A_106 = tpu.memref_slice %arg3[%dma_start3A_104, %dma_start3A_105] : memref<1000000x32xi32, #tpu.memory_space<hbm>> -> memref<1000000x32xi32, #tpu.memory_space<hbm>>
      tpu.enqueue_indirect_dma source(%dma_start3A_106 : memref<1000000x32xi32, #tpu.memory_space<hbm>>) target(%dma_start3A_100 : memref<50x32xi32, #tpu.memory_space<vmem>>) offsets(%dma_start3A_103 : memref<50xi32, #tpu.memory_space<vmem>>) semaphore(%arg8 : memref<!tpu.dma_semaphore, #tpu.memory_space<semaphore_mem>>)
      %dma_start3A_107 = arith.constant 8 : i32
      %dma_start3A_108 = arith.constant 8 : i32
      %dma_start3A_109 = arith.constant 0 : i32
      %dma_start3A_110 = arith.constant 0 : i32
      %dma_start3A_111 = tpu.memref_slice %arg6[%dma_start3A_108, %dma_start3A_109, %dma_start3A_110] : memref<16x50x32xi32, #tpu.memory_space<vmem>> -> memref<1x50x32xi32, #tpu.memory_space<vmem>>
      %dma_start3A_112 = tpu.memref_squeeze %dma_start3A_111 : memref<1x50x32xi32, #tpu.memory_space<vmem>> -> memref<50x32xi32, #tpu.memory_space<vmem>>
      %dma_start3A_113 = arith.constant 0 : i32
      %dma_start3A_114 = tpu.memref_slice %arg5[%dma_start3A_107, %dma_start3A_113] : memref<16x50xi32, #tpu.memory_space<vmem>> -> memref<1x50xi32, #tpu.memory_space<vmem>>
      %dma_start3A_115 = tpu.memref_squeeze %dma_start3A_114 : memref<1x50xi32, #tpu.memory_space<vmem>> -> memref<50xi32, #tpu.memory_space<vmem>>
      %dma_start3A_116 = arith.constant 0 : i32
      %dma_start3A_117 = arith.constant 0 : i32
      %dma_start3A_118 = tpu.memref_slice %arg3[%dma_start3A_116, %dma_start3A_117] : memref<1000000x32xi32, #tpu.memory_space<hbm>> -> memref<1000000x32xi32, #tpu.memory_space<hbm>>
      tpu.enqueue_indirect_dma source(%dma_start3A_118 : memref<1000000x32xi32, #tpu.memory_space<hbm>>) target(%dma_start3A_112 : memref<50x32xi32, #tpu.memory_space<vmem>>) offsets(%dma_start3A_115 : memref<50xi32, #tpu.memory_space<vmem>>) semaphore(%arg8 : memref<!tpu.dma_semaphore, #tpu.memory_space<semaphore_mem>>)
      %dma_start3A_119 = arith.constant 9 : i32
      %dma_start3A_120 = arith.constant 9 : i32
      %dma_start3A_121 = arith.constant 0 : i32
      %dma_start3A_122 = arith.constant 0 : i32
      %dma_start3A_123 = tpu.memref_slice %arg6[%dma_start3A_120, %dma_start3A_121, %dma_start3A_122] : memref<16x50x32xi32, #tpu.memory_space<vmem>> -> memref<1x50x32xi32, #tpu.memory_space<vmem>>
      %dma_start3A_124 = tpu.memref_squeeze %dma_start3A_123 : memref<1x50x32xi32, #tpu.memory_space<vmem>> -> memref<50x32xi32, #tpu.memory_space<vmem>>
      %dma_start3A_125 = arith.constant 0 : i32
      %dma_start3A_126 = tpu.memref_slice %arg5[%dma_start3A_119, %dma_start3A_125] : memref<16x50xi32, #tpu.memory_space<vmem>> -> memref<1x50xi32, #tpu.memory_space<vmem>>
      %dma_start3A_127 = tpu.memref_squeeze %dma_start3A_126 : memref<1x50xi32, #tpu.memory_space<vmem>> -> memref<50xi32, #tpu.memory_space<vmem>>
      %dma_start3A_128 = arith.constant 0 : i32
      %dma_start3A_129 = arith.constant 0 : i32
      %dma_start3A_130 = tpu.memref_slice %arg3[%dma_start3A_128, %dma_start3A_129] : memref<1000000x32xi32, #tpu.memory_space<hbm>> -> memref<1000000x32xi32, #tpu.memory_space<hbm>>
      tpu.enqueue_indirect_dma source(%dma_start3A_130 : memref<1000000x32xi32, #tpu.memory_space<hbm>>) target(%dma_start3A_124 : memref<50x32xi32, #tpu.memory_space<vmem>>) offsets(%dma_start3A_127 : memref<50xi32, #tpu.memory_space<vmem>>) semaphore(%arg8 : memref<!tpu.dma_semaphore, #tpu.memory_space<semaphore_mem>>)
      %dma_start3A_131 = arith.constant 10 : i32
      %dma_start3A_132 = arith.constant 10 : i32
      %dma_start3A_133 = arith.constant 0 : i32
      %dma_start3A_134 = arith.constant 0 : i32
      %dma_start3A_135 = tpu.memref_slice %arg6[%dma_start3A_132, %dma_start3A_133, %dma_start3A_134] : memref<16x50x32xi32, #tpu.memory_space<vmem>> -> memref<1x50x32xi32, #tpu.memory_space<vmem>>
      %dma_start3A_136 = tpu.memref_squeeze %dma_start3A_135 : memref<1x50x32xi32, #tpu.memory_space<vmem>> -> memref<50x32xi32, #tpu.memory_space<vmem>>
      %dma_start3A_137 = arith.constant 0 : i32
      %dma_start3A_138 = tpu.memref_slice %arg5[%dma_start3A_131, %dma_start3A_137] : memref<16x50xi32, #tpu.memory_space<vmem>> -> memref<1x50xi32, #tpu.memory_space<vmem>>
      %dma_start3A_139 = tpu.memref_squeeze %dma_start3A_138 : memref<1x50xi32, #tpu.memory_space<vmem>> -> memref<50xi32, #tpu.memory_space<vmem>>
      %dma_start3A_140 = arith.constant 0 : i32
      %dma_start3A_141 = arith.constant 0 : i32
      %dma_start3A_142 = tpu.memref_slice %arg3[%dma_start3A_140, %dma_start3A_141] : memref<1000000x32xi32, #tpu.memory_space<hbm>> -> memref<1000000x32xi32, #tpu.memory_space<hbm>>
      tpu.enqueue_indirect_dma source(%dma_start3A_142 : memref<1000000x32xi32, #tpu.memory_space<hbm>>) target(%dma_start3A_136 : memref<50x32xi32, #tpu.memory_space<vmem>>) offsets(%dma_start3A_139 : memref<50xi32, #tpu.memory_space<vmem>>) semaphore(%arg8 : memref<!tpu.dma_semaphore, #tpu.memory_space<semaphore_mem>>)
      %dma_start3A_143 = arith.constant 11 : i32
      %dma_start3A_144 = arith.constant 11 : i32
      %dma_start3A_145 = arith.constant 0 : i32
      %dma_start3A_146 = arith.constant 0 : i32
      %dma_start3A_147 = tpu.memref_slice %arg6[%dma_start3A_144, %dma_start3A_145, %dma_start3A_146] : memref<16x50x32xi32, #tpu.memory_space<vmem>> -> memref<1x50x32xi32, #tpu.memory_space<vmem>>
      %dma_start3A_148 = tpu.memref_squeeze %dma_start3A_147 : memref<1x50x32xi32, #tpu.memory_space<vmem>> -> memref<50x32xi32, #tpu.memory_space<vmem>>
      %dma_start3A_149 = arith.constant 0 : i32
      %dma_start3A_150 = tpu.memref_slice %arg5[%dma_start3A_143, %dma_start3A_149] : memref<16x50xi32, #tpu.memory_space<vmem>> -> memref<1x50xi32, #tpu.memory_space<vmem>>
      %dma_start3A_151 = tpu.memref_squeeze %dma_start3A_150 : memref<1x50xi32, #tpu.memory_space<vmem>> -> memref<50xi32, #tpu.memory_space<vmem>>
      %dma_start3A_152 = arith.constant 0 : i32
      %dma_start3A_153 = arith.constant 0 : i32
      %dma_start3A_154 = tpu.memref_slice %arg3[%dma_start3A_152, %dma_start3A_153] : memref<1000000x32xi32, #tpu.memory_space<hbm>> -> memref<1000000x32xi32, #tpu.memory_space<hbm>>
      tpu.enqueue_indirect_dma source(%dma_start3A_154 : memref<1000000x32xi32, #tpu.memory_space<hbm>>) target(%dma_start3A_148 : memref<50x32xi32, #tpu.memory_space<vmem>>) offsets(%dma_start3A_151 : memref<50xi32, #tpu.memory_space<vmem>>) semaphore(%arg8 : memref<!tpu.dma_semaphore, #tpu.memory_space<semaphore_mem>>)
      %dma_start3A_155 = arith.constant 12 : i32
      %dma_start3A_156 = arith.constant 12 : i32
      %dma_start3A_157 = arith.constant 0 : i32
      %dma_start3A_158 = arith.constant 0 : i32
      %dma_start3A_159 = tpu.memref_slice %arg6[%dma_start3A_156, %dma_start3A_157, %dma_start3A_158] : memref<16x50x32xi32, #tpu.memory_space<vmem>> -> memref<1x50x32xi32, #tpu.memory_space<vmem>>
      %dma_start3A_160 = tpu.memref_squeeze %dma_start3A_159 : memref<1x50x32xi32, #tpu.memory_space<vmem>> -> memref<50x32xi32, #tpu.memory_space<vmem>>
      %dma_start3A_161 = arith.constant 0 : i32
      %dma_start3A_162 = tpu.memref_slice %arg5[%dma_start3A_155, %dma_start3A_161] : memref<16x50xi32, #tpu.memory_space<vmem>> -> memref<1x50xi32, #tpu.memory_space<vmem>>
      %dma_start3A_163 = tpu.memref_squeeze %dma_start3A_162 : memref<1x50xi32, #tpu.memory_space<vmem>> -> memref<50xi32, #tpu.memory_space<vmem>>
      %dma_start3A_164 = arith.constant 0 : i32
      %dma_start3A_165 = arith.constant 0 : i32
      %dma_start3A_166 = tpu.memref_slice %arg3[%dma_start3A_164, %dma_start3A_165] : memref<1000000x32xi32, #tpu.memory_space<hbm>> -> memref<1000000x32xi32, #tpu.memory_space<hbm>>
      tpu.enqueue_indirect_dma source(%dma_start3A_166 : memref<1000000x32xi32, #tpu.memory_space<hbm>>) target(%dma_start3A_160 : memref<50x32xi32, #tpu.memory_space<vmem>>) offsets(%dma_start3A_163 : memref<50xi32, #tpu.memory_space<vmem>>) semaphore(%arg8 : memref<!tpu.dma_semaphore, #tpu.memory_space<semaphore_mem>>)
      %dma_start3A_167 = arith.constant 13 : i32
      %dma_start3A_168 = arith.constant 13 : i32
      %dma_start3A_169 = arith.constant 0 : i32
      %dma_start3A_170 = arith.constant 0 : i32
      %dma_start3A_171 = tpu.memref_slice %arg6[%dma_start3A_168, %dma_start3A_169, %dma_start3A_170] : memref<16x50x32xi32, #tpu.memory_space<vmem>> -> memref<1x50x32xi32, #tpu.memory_space<vmem>>
      %dma_start3A_172 = tpu.memref_squeeze %dma_start3A_171 : memref<1x50x32xi32, #tpu.memory_space<vmem>> -> memref<50x32xi32, #tpu.memory_space<vmem>>
      %dma_start3A_173 = arith.constant 0 : i32
      %dma_start3A_174 = tpu.memref_slice %arg5[%dma_start3A_167, %dma_start3A_173] : memref<16x50xi32, #tpu.memory_space<vmem>> -> memref<1x50xi32, #tpu.memory_space<vmem>>
      %dma_start3A_175 = tpu.memref_squeeze %dma_start3A_174 : memref<1x50xi32, #tpu.memory_space<vmem>> -> memref<50xi32, #tpu.memory_space<vmem>>
      %dma_start3A_176 = arith.constant 0 : i32
      %dma_start3A_177 = arith.constant 0 : i32
      %dma_start3A_178 = tpu.memref_slice %arg3[%dma_start3A_176, %dma_start3A_177] : memref<1000000x32xi32, #tpu.memory_space<hbm>> -> memref<1000000x32xi32, #tpu.memory_space<hbm>>
      tpu.enqueue_indirect_dma source(%dma_start3A_178 : memref<1000000x32xi32, #tpu.memory_space<hbm>>) target(%dma_start3A_172 : memref<50x32xi32, #tpu.memory_space<vmem>>) offsets(%dma_start3A_175 : memref<50xi32, #tpu.memory_space<vmem>>) semaphore(%arg8 : memref<!tpu.dma_semaphore, #tpu.memory_space<semaphore_mem>>)
      %dma_start3A_179 = arith.constant 14 : i32
      %dma_start3A_180 = arith.constant 14 : i32
      %dma_start3A_181 = arith.constant 0 : i32
      %dma_start3A_182 = arith.constant 0 : i32
      %dma_start3A_183 = tpu.memref_slice %arg6[%dma_start3A_180, %dma_start3A_181, %dma_start3A_182] : memref<16x50x32xi32, #tpu.memory_space<vmem>> -> memref<1x50x32xi32, #tpu.memory_space<vmem>>
      %dma_start3A_184 = tpu.memref_squeeze %dma_start3A_183 : memref<1x50x32xi32, #tpu.memory_space<vmem>> -> memref<50x32xi32, #tpu.memory_space<vmem>>
      %dma_start3A_185 = arith.constant 0 : i32
      %dma_start3A_186 = tpu.memref_slice %arg5[%dma_start3A_179, %dma_start3A_185] : memref<16x50xi32, #tpu.memory_space<vmem>> -> memref<1x50xi32, #tpu.memory_space<vmem>>
      %dma_start3A_187 = tpu.memref_squeeze %dma_start3A_186 : memref<1x50xi32, #tpu.memory_space<vmem>> -> memref<50xi32, #tpu.memory_space<vmem>>
      %dma_start3A_188 = arith.constant 0 : i32
      %dma_start3A_189 = arith.constant 0 : i32
      %dma_start3A_190 = tpu.memref_slice %arg3[%dma_start3A_188, %dma_start3A_189] : memref<1000000x32xi32, #tpu.memory_space<hbm>> -> memref<1000000x32xi32, #tpu.memory_space<hbm>>
      tpu.enqueue_indirect_dma source(%dma_start3A_190 : memref<1000000x32xi32, #tpu.memory_space<hbm>>) target(%dma_start3A_184 : memref<50x32xi32, #tpu.memory_space<vmem>>) offsets(%dma_start3A_187 : memref<50xi32, #tpu.memory_space<vmem>>) semaphore(%arg8 : memref<!tpu.dma_semaphore, #tpu.memory_space<semaphore_mem>>)
      %dma_start3A_191 = arith.constant 15 : i32
      %dma_start3A_192 = arith.constant 15 : i32
      %dma_start3A_193 = arith.constant 0 : i32
      %dma_start3A_194 = arith.constant 0 : i32
      %dma_start3A_195 = tpu.memref_slice %arg6[%dma_start3A_192, %dma_start3A_193, %dma_start3A_194] : memref<16x50x32xi32, #tpu.memory_space<vmem>> -> memref<1x50x32xi32, #tpu.memory_space<vmem>>
      %dma_start3A_196 = tpu.memref_squeeze %dma_start3A_195 : memref<1x50x32xi32, #tpu.memory_space<vmem>> -> memref<50x32xi32, #tpu.memory_space<vmem>>
      %dma_start3A_197 = arith.constant 0 : i32
      %dma_start3A_198 = tpu.memref_slice %arg5[%dma_start3A_191, %dma_start3A_197] : memref<16x50xi32, #tpu.memory_space<vmem>> -> memref<1x50xi32, #tpu.memory_space<vmem>>
      %dma_start3A_199 = tpu.memref_squeeze %dma_start3A_198 : memref<1x50xi32, #tpu.memory_space<vmem>> -> memref<50xi32, #tpu.memory_space<vmem>>
      %dma_start3A_200 = arith.constant 0 : i32
      %dma_start3A_201 = arith.constant 0 : i32
      %dma_start3A_202 = tpu.memref_slice %arg3[%dma_start3A_200, %dma_start3A_201] : memref<1000000x32xi32, #tpu.memory_space<hbm>> -> memref<1000000x32xi32, #tpu.memory_space<hbm>>
      tpu.enqueue_indirect_dma source(%dma_start3A_202 : memref<1000000x32xi32, #tpu.memory_space<hbm>>) target(%dma_start3A_196 : memref<50x32xi32, #tpu.memory_space<vmem>>) offsets(%dma_start3A_199 : memref<50xi32, #tpu.memory_space<vmem>>) semaphore(%arg8 : memref<!tpu.dma_semaphore, #tpu.memory_space<semaphore_mem>>)
      %dma_wait3A = arith.constant 0 : i32
      %dma_wait3A_203 = arith.constant 0 : i32
      %dma_wait3A_204 = arith.constant 0 : i32
      %dma_wait3A_205 = arith.constant 0 : i32
      %dma_wait3A_206 = tpu.memref_slice %arg6[%dma_wait3A_203, %dma_wait3A_204, %dma_wait3A_205] : memref<16x50x32xi32, #tpu.memory_space<vmem>> -> memref<1x50x32xi32, #tpu.memory_space<vmem>>
      %dma_wait3A_207 = tpu.memref_squeeze %dma_wait3A_206 : memref<1x50x32xi32, #tpu.memory_space<vmem>> -> memref<50x32xi32, #tpu.memory_space<vmem>>
      %dma_wait3A_208 = arith.constant 0 : i32
      %dma_wait3A_209 = tpu.memref_slice %arg5[%dma_wait3A, %dma_wait3A_208] : memref<16x50xi32, #tpu.memory_space<vmem>> -> memref<1x50xi32, #tpu.memory_space<vmem>>
      %dma_wait3A_210 = tpu.memref_squeeze %dma_wait3A_209 : memref<1x50xi32, #tpu.memory_space<vmem>> -> memref<50xi32, #tpu.memory_space<vmem>>
      %dma_wait3A_211 = arith.constant 0 : i32
      %dma_wait3A_212 = arith.constant 0 : i32
      %dma_wait3A_213 = tpu.memref_slice %arg3[%dma_wait3A_211, %dma_wait3A_212] : memref<1000000x32xi32, #tpu.memory_space<hbm>> -> memref<1000000x32xi32, #tpu.memory_space<hbm>>
      tpu.wait_indirect_dma semaphore(%arg8 : memref<!tpu.dma_semaphore, #tpu.memory_space<semaphore_mem>>) src(%dma_wait3A_213 : memref<1000000x32xi32, #tpu.memory_space<hbm>>) dst(%dma_wait3A_207 : memref<50x32xi32, #tpu.memory_space<vmem>>)
      %dma_wait3A_214 = arith.constant 1 : i32
      %dma_wait3A_215 = arith.constant 1 : i32
      %dma_wait3A_216 = arith.constant 0 : i32
      %dma_wait3A_217 = arith.constant 0 : i32
      %dma_wait3A_218 = tpu.memref_slice %arg6[%dma_wait3A_215, %dma_wait3A_216, %dma_wait3A_217] : memref<16x50x32xi32, #tpu.memory_space<vmem>> -> memref<1x50x32xi32, #tpu.memory_space<vmem>>
      %dma_wait3A_219 = tpu.memref_squeeze %dma_wait3A_218 : memref<1x50x32xi32, #tpu.memory_space<vmem>> -> memref<50x32xi32, #tpu.memory_space<vmem>>
      %dma_wait3A_220 = arith.constant 0 : i32
      %dma_wait3A_221 = tpu.memref_slice %arg5[%dma_wait3A_214, %dma_wait3A_220] : memref<16x50xi32, #tpu.memory_space<vmem>> -> memref<1x50xi32, #tpu.memory_space<vmem>>
      %dma_wait3A_222 = tpu.memref_squeeze %dma_wait3A_221 : memref<1x50xi32, #tpu.memory_space<vmem>> -> memref<50xi32, #tpu.memory_space<vmem>>
      %dma_wait3A_223 = arith.constant 0 : i32
      %dma_wait3A_224 = arith.constant 0 : i32
      %dma_wait3A_225 = tpu.memref_slice %arg3[%dma_wait3A_223, %dma_wait3A_224] : memref<1000000x32xi32, #tpu.memory_space<hbm>> -> memref<1000000x32xi32, #tpu.memory_space<hbm>>
      tpu.wait_indirect_dma semaphore(%arg8 : memref<!tpu.dma_semaphore, #tpu.memory_space<semaphore_mem>>) src(%dma_wait3A_225 : memref<1000000x32xi32, #tpu.memory_space<hbm>>) dst(%dma_wait3A_219 : memref<50x32xi32, #tpu.memory_space<vmem>>)
      %dma_wait3A_226 = arith.constant 2 : i32
      %dma_wait3A_227 = arith.constant 2 : i32
      %dma_wait3A_228 = arith.constant 0 : i32
      %dma_wait3A_229 = arith.constant 0 : i32
      %dma_wait3A_230 = tpu.memref_slice %arg6[%dma_wait3A_227, %dma_wait3A_228, %dma_wait3A_229] : memref<16x50x32xi32, #tpu.memory_space<vmem>> -> memref<1x50x32xi32, #tpu.memory_space<vmem>>
      %dma_wait3A_231 = tpu.memref_squeeze %dma_wait3A_230 : memref<1x50x32xi32, #tpu.memory_space<vmem>> -> memref<50x32xi32, #tpu.memory_space<vmem>>
      %dma_wait3A_232 = arith.constant 0 : i32
      %dma_wait3A_233 = tpu.memref_slice %arg5[%dma_wait3A_226, %dma_wait3A_232] : memref<16x50xi32, #tpu.memory_space<vmem>> -> memref<1x50xi32, #tpu.memory_space<vmem>>
      %dma_wait3A_234 = tpu.memref_squeeze %dma_wait3A_233 : memref<1x50xi32, #tpu.memory_space<vmem>> -> memref<50xi32, #tpu.memory_space<vmem>>
      %dma_wait3A_235 = arith.constant 0 : i32
      %dma_wait3A_236 = arith.constant 0 : i32
      %dma_wait3A_237 = tpu.memref_slice %arg3[%dma_wait3A_235, %dma_wait3A_236] : memref<1000000x32xi32, #tpu.memory_space<hbm>> -> memref<1000000x32xi32, #tpu.memory_space<hbm>>
      tpu.wait_indirect_dma semaphore(%arg8 : memref<!tpu.dma_semaphore, #tpu.memory_space<semaphore_mem>>) src(%dma_wait3A_237 : memref<1000000x32xi32, #tpu.memory_space<hbm>>) dst(%dma_wait3A_231 : memref<50x32xi32, #tpu.memory_space<vmem>>)
      %dma_wait3A_238 = arith.constant 3 : i32
      %dma_wait3A_239 = arith.constant 3 : i32
      %dma_wait3A_240 = arith.constant 0 : i32
      %dma_wait3A_241 = arith.constant 0 : i32
      %dma_wait3A_242 = tpu.memref_slice %arg6[%dma_wait3A_239, %dma_wait3A_240, %dma_wait3A_241] : memref<16x50x32xi32, #tpu.memory_space<vmem>> -> memref<1x50x32xi32, #tpu.memory_space<vmem>>
      %dma_wait3A_243 = tpu.memref_squeeze %dma_wait3A_242 : memref<1x50x32xi32, #tpu.memory_space<vmem>> -> memref<50x32xi32, #tpu.memory_space<vmem>>
      %dma_wait3A_244 = arith.constant 0 : i32
      %dma_wait3A_245 = tpu.memref_slice %arg5[%dma_wait3A_238, %dma_wait3A_244] : memref<16x50xi32, #tpu.memory_space<vmem>> -> memref<1x50xi32, #tpu.memory_space<vmem>>
      %dma_wait3A_246 = tpu.memref_squeeze %dma_wait3A_245 : memref<1x50xi32, #tpu.memory_space<vmem>> -> memref<50xi32, #tpu.memory_space<vmem>>
      %dma_wait3A_247 = arith.constant 0 : i32
      %dma_wait3A_248 = arith.constant 0 : i32
      %dma_wait3A_249 = tpu.memref_slice %arg3[%dma_wait3A_247, %dma_wait3A_248] : memref<1000000x32xi32, #tpu.memory_space<hbm>> -> memref<1000000x32xi32, #tpu.memory_space<hbm>>
      tpu.wait_indirect_dma semaphore(%arg8 : memref<!tpu.dma_semaphore, #tpu.memory_space<semaphore_mem>>) src(%dma_wait3A_249 : memref<1000000x32xi32, #tpu.memory_space<hbm>>) dst(%dma_wait3A_243 : memref<50x32xi32, #tpu.memory_space<vmem>>)
      %dma_wait3A_250 = arith.constant 4 : i32
      %dma_wait3A_251 = arith.constant 4 : i32
      %dma_wait3A_252 = arith.constant 0 : i32
      %dma_wait3A_253 = arith.constant 0 : i32
      %dma_wait3A_254 = tpu.memref_slice %arg6[%dma_wait3A_251, %dma_wait3A_252, %dma_wait3A_253] : memref<16x50x32xi32, #tpu.memory_space<vmem>> -> memref<1x50x32xi32, #tpu.memory_space<vmem>>
      %dma_wait3A_255 = tpu.memref_squeeze %dma_wait3A_254 : memref<1x50x32xi32, #tpu.memory_space<vmem>> -> memref<50x32xi32, #tpu.memory_space<vmem>>
      %dma_wait3A_256 = arith.constant 0 : i32
      %dma_wait3A_257 = tpu.memref_slice %arg5[%dma_wait3A_250, %dma_wait3A_256] : memref<16x50xi32, #tpu.memory_space<vmem>> -> memref<1x50xi32, #tpu.memory_space<vmem>>
      %dma_wait3A_258 = tpu.memref_squeeze %dma_wait3A_257 : memref<1x50xi32, #tpu.memory_space<vmem>> -> memref<50xi32, #tpu.memory_space<vmem>>
      %dma_wait3A_259 = arith.constant 0 : i32
      %dma_wait3A_260 = arith.constant 0 : i32
      %dma_wait3A_261 = tpu.memref_slice %arg3[%dma_wait3A_259, %dma_wait3A_260] : memref<1000000x32xi32, #tpu.memory_space<hbm>> -> memref<1000000x32xi32, #tpu.memory_space<hbm>>
      tpu.wait_indirect_dma semaphore(%arg8 : memref<!tpu.dma_semaphore, #tpu.memory_space<semaphore_mem>>) src(%dma_wait3A_261 : memref<1000000x32xi32, #tpu.memory_space<hbm>>) dst(%dma_wait3A_255 : memref<50x32xi32, #tpu.memory_space<vmem>>)
      %dma_wait3A_262 = arith.constant 5 : i32
      %dma_wait3A_263 = arith.constant 5 : i32
      %dma_wait3A_264 = arith.constant 0 : i32
      %dma_wait3A_265 = arith.constant 0 : i32
      %dma_wait3A_266 = tpu.memref_slice %arg6[%dma_wait3A_263, %dma_wait3A_264, %dma_wait3A_265] : memref<16x50x32xi32, #tpu.memory_space<vmem>> -> memref<1x50x32xi32, #tpu.memory_space<vmem>>
      %dma_wait3A_267 = tpu.memref_squeeze %dma_wait3A_266 : memref<1x50x32xi32, #tpu.memory_space<vmem>> -> memref<50x32xi32, #tpu.memory_space<vmem>>
      %dma_wait3A_268 = arith.constant 0 : i32
      %dma_wait3A_269 = tpu.memref_slice %arg5[%dma_wait3A_262, %dma_wait3A_268] : memref<16x50xi32, #tpu.memory_space<vmem>> -> memref<1x50xi32, #tpu.memory_space<vmem>>
      %dma_wait3A_270 = tpu.memref_squeeze %dma_wait3A_269 : memref<1x50xi32, #tpu.memory_space<vmem>> -> memref<50xi32, #tpu.memory_space<vmem>>
      %dma_wait3A_271 = arith.constant 0 : i32
      %dma_wait3A_272 = arith.constant 0 : i32
      %dma_wait3A_273 = tpu.memref_slice %arg3[%dma_wait3A_271, %dma_wait3A_272] : memref<1000000x32xi32, #tpu.memory_space<hbm>> -> memref<1000000x32xi32, #tpu.memory_space<hbm>>
      tpu.wait_indirect_dma semaphore(%arg8 : memref<!tpu.dma_semaphore, #tpu.memory_space<semaphore_mem>>) src(%dma_wait3A_273 : memref<1000000x32xi32, #tpu.memory_space<hbm>>) dst(%dma_wait3A_267 : memref<50x32xi32, #tpu.memory_space<vmem>>)
      %dma_wait3A_274 = arith.constant 6 : i32
      %dma_wait3A_275 = arith.constant 6 : i32
      %dma_wait3A_276 = arith.constant 0 : i32
      %dma_wait3A_277 = arith.constant 0 : i32
      %dma_wait3A_278 = tpu.memref_slice %arg6[%dma_wait3A_275, %dma_wait3A_276, %dma_wait3A_277] : memref<16x50x32xi32, #tpu.memory_space<vmem>> -> memref<1x50x32xi32, #tpu.memory_space<vmem>>
      %dma_wait3A_279 = tpu.memref_squeeze %dma_wait3A_278 : memref<1x50x32xi32, #tpu.memory_space<vmem>> -> memref<50x32xi32, #tpu.memory_space<vmem>>
      %dma_wait3A_280 = arith.constant 0 : i32
      %dma_wait3A_281 = tpu.memref_slice %arg5[%dma_wait3A_274, %dma_wait3A_280] : memref<16x50xi32, #tpu.memory_space<vmem>> -> memref<1x50xi32, #tpu.memory_space<vmem>>
      %dma_wait3A_282 = tpu.memref_squeeze %dma_wait3A_281 : memref<1x50xi32, #tpu.memory_space<vmem>> -> memref<50xi32, #tpu.memory_space<vmem>>
      %dma_wait3A_283 = arith.constant 0 : i32
      %dma_wait3A_284 = arith.constant 0 : i32
      %dma_wait3A_285 = tpu.memref_slice %arg3[%dma_wait3A_283, %dma_wait3A_284] : memref<1000000x32xi32, #tpu.memory_space<hbm>> -> memref<1000000x32xi32, #tpu.memory_space<hbm>>
      tpu.wait_indirect_dma semaphore(%arg8 : memref<!tpu.dma_semaphore, #tpu.memory_space<semaphore_mem>>) src(%dma_wait3A_285 : memref<1000000x32xi32, #tpu.memory_space<hbm>>) dst(%dma_wait3A_279 : memref<50x32xi32, #tpu.memory_space<vmem>>)
      %dma_wait3A_286 = arith.constant 7 : i32
      %dma_wait3A_287 = arith.constant 7 : i32
      %dma_wait3A_288 = arith.constant 0 : i32
      %dma_wait3A_289 = arith.constant 0 : i32
      %dma_wait3A_290 = tpu.memref_slice %arg6[%dma_wait3A_287, %dma_wait3A_288, %dma_wait3A_289] : memref<16x50x32xi32, #tpu.memory_space<vmem>> -> memref<1x50x32xi32, #tpu.memory_space<vmem>>
      %dma_wait3A_291 = tpu.memref_squeeze %dma_wait3A_290 : memref<1x50x32xi32, #tpu.memory_space<vmem>> -> memref<50x32xi32, #tpu.memory_space<vmem>>
      %dma_wait3A_292 = arith.constant 0 : i32
      %dma_wait3A_293 = tpu.memref_slice %arg5[%dma_wait3A_286, %dma_wait3A_292] : memref<16x50xi32, #tpu.memory_space<vmem>> -> memref<1x50xi32, #tpu.memory_space<vmem>>
      %dma_wait3A_294 = tpu.memref_squeeze %dma_wait3A_293 : memref<1x50xi32, #tpu.memory_space<vmem>> -> memref<50xi32, #tpu.memory_space<vmem>>
      %dma_wait3A_295 = arith.constant 0 : i32
      %dma_wait3A_296 = arith.constant 0 : i32
      %dma_wait3A_297 = tpu.memref_slice %arg3[%dma_wait3A_295, %dma_wait3A_296] : memref<1000000x32xi32, #tpu.memory_space<hbm>> -> memref<1000000x32xi32, #tpu.memory_space<hbm>>
      tpu.wait_indirect_dma semaphore(%arg8 : memref<!tpu.dma_semaphore, #tpu.memory_space<semaphore_mem>>) src(%dma_wait3A_297 : memref<1000000x32xi32, #tpu.memory_space<hbm>>) dst(%dma_wait3A_291 : memref<50x32xi32, #tpu.memory_space<vmem>>)
      %dma_wait3A_298 = arith.constant 8 : i32
      %dma_wait3A_299 = arith.constant 8 : i32
      %dma_wait3A_300 = arith.constant 0 : i32
      %dma_wait3A_301 = arith.constant 0 : i32
      %dma_wait3A_302 = tpu.memref_slice %arg6[%dma_wait3A_299, %dma_wait3A_300, %dma_wait3A_301] : memref<16x50x32xi32, #tpu.memory_space<vmem>> -> memref<1x50x32xi32, #tpu.memory_space<vmem>>
      %dma_wait3A_303 = tpu.memref_squeeze %dma_wait3A_302 : memref<1x50x32xi32, #tpu.memory_space<vmem>> -> memref<50x32xi32, #tpu.memory_space<vmem>>
      %dma_wait3A_304 = arith.constant 0 : i32
      %dma_wait3A_305 = tpu.memref_slice %arg5[%dma_wait3A_298, %dma_wait3A_304] : memref<16x50xi32, #tpu.memory_space<vmem>> -> memref<1x50xi32, #tpu.memory_space<vmem>>
      %dma_wait3A_306 = tpu.memref_squeeze %dma_wait3A_305 : memref<1x50xi32, #tpu.memory_space<vmem>> -> memref<50xi32, #tpu.memory_space<vmem>>
      %dma_wait3A_307 = arith.constant 0 : i32
      %dma_wait3A_308 = arith.constant 0 : i32
      %dma_wait3A_309 = tpu.memref_slice %arg3[%dma_wait3A_307, %dma_wait3A_308] : memref<1000000x32xi32, #tpu.memory_space<hbm>> -> memref<1000000x32xi32, #tpu.memory_space<hbm>>
      tpu.wait_indirect_dma semaphore(%arg8 : memref<!tpu.dma_semaphore, #tpu.memory_space<semaphore_mem>>) src(%dma_wait3A_309 : memref<1000000x32xi32, #tpu.memory_space<hbm>>) dst(%dma_wait3A_303 : memref<50x32xi32, #tpu.memory_space<vmem>>)
      %dma_wait3A_310 = arith.constant 9 : i32
      %dma_wait3A_311 = arith.constant 9 : i32
      %dma_wait3A_312 = arith.constant 0 : i32
      %dma_wait3A_313 = arith.constant 0 : i32
      %dma_wait3A_314 = tpu.memref_slice %arg6[%dma_wait3A_311, %dma_wait3A_312, %dma_wait3A_313] : memref<16x50x32xi32, #tpu.memory_space<vmem>> -> memref<1x50x32xi32, #tpu.memory_space<vmem>>
      %dma_wait3A_315 = tpu.memref_squeeze %dma_wait3A_314 : memref<1x50x32xi32, #tpu.memory_space<vmem>> -> memref<50x32xi32, #tpu.memory_space<vmem>>
      %dma_wait3A_316 = arith.constant 0 : i32
      %dma_wait3A_317 = tpu.memref_slice %arg5[%dma_wait3A_310, %dma_wait3A_316] : memref<16x50xi32, #tpu.memory_space<vmem>> -> memref<1x50xi32, #tpu.memory_space<vmem>>
      %dma_wait3A_318 = tpu.memref_squeeze %dma_wait3A_317 : memref<1x50xi32, #tpu.memory_space<vmem>> -> memref<50xi32, #tpu.memory_space<vmem>>
      %dma_wait3A_319 = arith.constant 0 : i32
      %dma_wait3A_320 = arith.constant 0 : i32
      %dma_wait3A_321 = tpu.memref_slice %arg3[%dma_wait3A_319, %dma_wait3A_320] : memref<1000000x32xi32, #tpu.memory_space<hbm>> -> memref<1000000x32xi32, #tpu.memory_space<hbm>>
      tpu.wait_indirect_dma semaphore(%arg8 : memref<!tpu.dma_semaphore, #tpu.memory_space<semaphore_mem>>) src(%dma_wait3A_321 : memref<1000000x32xi32, #tpu.memory_space<hbm>>) dst(%dma_wait3A_315 : memref<50x32xi32, #tpu.memory_space<vmem>>)
      %dma_wait3A_322 = arith.constant 10 : i32
      %dma_wait3A_323 = arith.constant 10 : i32
      %dma_wait3A_324 = arith.constant 0 : i32
      %dma_wait3A_325 = arith.constant 0 : i32
      %dma_wait3A_326 = tpu.memref_slice %arg6[%dma_wait3A_323, %dma_wait3A_324, %dma_wait3A_325] : memref<16x50x32xi32, #tpu.memory_space<vmem>> -> memref<1x50x32xi32, #tpu.memory_space<vmem>>
      %dma_wait3A_327 = tpu.memref_squeeze %dma_wait3A_326 : memref<1x50x32xi32, #tpu.memory_space<vmem>> -> memref<50x32xi32, #tpu.memory_space<vmem>>
      %dma_wait3A_328 = arith.constant 0 : i32
      %dma_wait3A_329 = tpu.memref_slice %arg5[%dma_wait3A_322, %dma_wait3A_328] : memref<16x50xi32, #tpu.memory_space<vmem>> -> memref<1x50xi32, #tpu.memory_space<vmem>>
      %dma_wait3A_330 = tpu.memref_squeeze %dma_wait3A_329 : memref<1x50xi32, #tpu.memory_space<vmem>> -> memref<50xi32, #tpu.memory_space<vmem>>
      %dma_wait3A_331 = arith.constant 0 : i32
      %dma_wait3A_332 = arith.constant 0 : i32
      %dma_wait3A_333 = tpu.memref_slice %arg3[%dma_wait3A_331, %dma_wait3A_332] : memref<1000000x32xi32, #tpu.memory_space<hbm>> -> memref<1000000x32xi32, #tpu.memory_space<hbm>>
      tpu.wait_indirect_dma semaphore(%arg8 : memref<!tpu.dma_semaphore, #tpu.memory_space<semaphore_mem>>) src(%dma_wait3A_333 : memref<1000000x32xi32, #tpu.memory_space<hbm>>) dst(%dma_wait3A_327 : memref<50x32xi32, #tpu.memory_space<vmem>>)
      %dma_wait3A_334 = arith.constant 11 : i32
      %dma_wait3A_335 = arith.constant 11 : i32
      %dma_wait3A_336 = arith.constant 0 : i32
      %dma_wait3A_337 = arith.constant 0 : i32
      %dma_wait3A_338 = tpu.memref_slice %arg6[%dma_wait3A_335, %dma_wait3A_336, %dma_wait3A_337] : memref<16x50x32xi32, #tpu.memory_space<vmem>> -> memref<1x50x32xi32, #tpu.memory_space<vmem>>
      %dma_wait3A_339 = tpu.memref_squeeze %dma_wait3A_338 : memref<1x50x32xi32, #tpu.memory_space<vmem>> -> memref<50x32xi32, #tpu.memory_space<vmem>>
      %dma_wait3A_340 = arith.constant 0 : i32
      %dma_wait3A_341 = tpu.memref_slice %arg5[%dma_wait3A_334, %dma_wait3A_340] : memref<16x50xi32, #tpu.memory_space<vmem>> -> memref<1x50xi32, #tpu.memory_space<vmem>>
      %dma_wait3A_342 = tpu.memref_squeeze %dma_wait3A_341 : memref<1x50xi32, #tpu.memory_space<vmem>> -> memref<50xi32, #tpu.memory_space<vmem>>
      %dma_wait3A_343 = arith.constant 0 : i32
      %dma_wait3A_344 = arith.constant 0 : i32
      %dma_wait3A_345 = tpu.memref_slice %arg3[%dma_wait3A_343, %dma_wait3A_344] : memref<1000000x32xi32, #tpu.memory_space<hbm>> -> memref<1000000x32xi32, #tpu.memory_space<hbm>>
      tpu.wait_indirect_dma semaphore(%arg8 : memref<!tpu.dma_semaphore, #tpu.memory_space<semaphore_mem>>) src(%dma_wait3A_345 : memref<1000000x32xi32, #tpu.memory_space<hbm>>) dst(%dma_wait3A_339 : memref<50x32xi32, #tpu.memory_space<vmem>>)
      %dma_wait3A_346 = arith.constant 12 : i32
      %dma_wait3A_347 = arith.constant 12 : i32
      %dma_wait3A_348 = arith.constant 0 : i32
      %dma_wait3A_349 = arith.constant 0 : i32
      %dma_wait3A_350 = tpu.memref_slice %arg6[%dma_wait3A_347, %dma_wait3A_348, %dma_wait3A_349] : memref<16x50x32xi32, #tpu.memory_space<vmem>> -> memref<1x50x32xi32, #tpu.memory_space<vmem>>
      %dma_wait3A_351 = tpu.memref_squeeze %dma_wait3A_350 : memref<1x50x32xi32, #tpu.memory_space<vmem>> -> memref<50x32xi32, #tpu.memory_space<vmem>>
      %dma_wait3A_352 = arith.constant 0 : i32
      %dma_wait3A_353 = tpu.memref_slice %arg5[%dma_wait3A_346, %dma_wait3A_352] : memref<16x50xi32, #tpu.memory_space<vmem>> -> memref<1x50xi32, #tpu.memory_space<vmem>>
      %dma_wait3A_354 = tpu.memref_squeeze %dma_wait3A_353 : memref<1x50xi32, #tpu.memory_space<vmem>> -> memref<50xi32, #tpu.memory_space<vmem>>
      %dma_wait3A_355 = arith.constant 0 : i32
      %dma_wait3A_356 = arith.constant 0 : i32
      %dma_wait3A_357 = tpu.memref_slice %arg3[%dma_wait3A_355, %dma_wait3A_356] : memref<1000000x32xi32, #tpu.memory_space<hbm>> -> memref<1000000x32xi32, #tpu.memory_space<hbm>>
      tpu.wait_indirect_dma semaphore(%arg8 : memref<!tpu.dma_semaphore, #tpu.memory_space<semaphore_mem>>) src(%dma_wait3A_357 : memref<1000000x32xi32, #tpu.memory_space<hbm>>) dst(%dma_wait3A_351 : memref<50x32xi32, #tpu.memory_space<vmem>>)
      %dma_wait3A_358 = arith.constant 13 : i32
      %dma_wait3A_359 = arith.constant 13 : i32
      %dma_wait3A_360 = arith.constant 0 : i32
      %dma_wait3A_361 = arith.constant 0 : i32
      %dma_wait3A_362 = tpu.memref_slice %arg6[%dma_wait3A_359, %dma_wait3A_360, %dma_wait3A_361] : memref<16x50x32xi32, #tpu.memory_space<vmem>> -> memref<1x50x32xi32, #tpu.memory_space<vmem>>
      %dma_wait3A_363 = tpu.memref_squeeze %dma_wait3A_362 : memref<1x50x32xi32, #tpu.memory_space<vmem>> -> memref<50x32xi32, #tpu.memory_space<vmem>>
      %dma_wait3A_364 = arith.constant 0 : i32
      %dma_wait3A_365 = tpu.memref_slice %arg5[%dma_wait3A_358, %dma_wait3A_364] : memref<16x50xi32, #tpu.memory_space<vmem>> -> memref<1x50xi32, #tpu.memory_space<vmem>>
      %dma_wait3A_366 = tpu.memref_squeeze %dma_wait3A_365 : memref<1x50xi32, #tpu.memory_space<vmem>> -> memref<50xi32, #tpu.memory_space<vmem>>
      %dma_wait3A_367 = arith.constant 0 : i32
      %dma_wait3A_368 = arith.constant 0 : i32
      %dma_wait3A_369 = tpu.memref_slice %arg3[%dma_wait3A_367, %dma_wait3A_368] : memref<1000000x32xi32, #tpu.memory_space<hbm>> -> memref<1000000x32xi32, #tpu.memory_space<hbm>>
      tpu.wait_indirect_dma semaphore(%arg8 : memref<!tpu.dma_semaphore, #tpu.memory_space<semaphore_mem>>) src(%dma_wait3A_369 : memref<1000000x32xi32, #tpu.memory_space<hbm>>) dst(%dma_wait3A_363 : memref<50x32xi32, #tpu.memory_space<vmem>>)
      %dma_wait3A_370 = arith.constant 14 : i32
      %dma_wait3A_371 = arith.constant 14 : i32
      %dma_wait3A_372 = arith.constant 0 : i32
      %dma_wait3A_373 = arith.constant 0 : i32
      %dma_wait3A_374 = tpu.memref_slice %arg6[%dma_wait3A_371, %dma_wait3A_372, %dma_wait3A_373] : memref<16x50x32xi32, #tpu.memory_space<vmem>> -> memref<1x50x32xi32, #tpu.memory_space<vmem>>
      %dma_wait3A_375 = tpu.memref_squeeze %dma_wait3A_374 : memref<1x50x32xi32, #tpu.memory_space<vmem>> -> memref<50x32xi32, #tpu.memory_space<vmem>>
      %dma_wait3A_376 = arith.constant 0 : i32
      %dma_wait3A_377 = tpu.memref_slice %arg5[%dma_wait3A_370, %dma_wait3A_376] : memref<16x50xi32, #tpu.memory_space<vmem>> -> memref<1x50xi32, #tpu.memory_space<vmem>>
      %dma_wait3A_378 = tpu.memref_squeeze %dma_wait3A_377 : memref<1x50xi32, #tpu.memory_space<vmem>> -> memref<50xi32, #tpu.memory_space<vmem>>
      %dma_wait3A_379 = arith.constant 0 : i32
      %dma_wait3A_380 = arith.constant 0 : i32
      %dma_wait3A_381 = tpu.memref_slice %arg3[%dma_wait3A_379, %dma_wait3A_380] : memref<1000000x32xi32, #tpu.memory_space<hbm>> -> memref<1000000x32xi32, #tpu.memory_space<hbm>>
      tpu.wait_indirect_dma semaphore(%arg8 : memref<!tpu.dma_semaphore, #tpu.memory_space<semaphore_mem>>) src(%dma_wait3A_381 : memref<1000000x32xi32, #tpu.memory_space<hbm>>) dst(%dma_wait3A_375 : memref<50x32xi32, #tpu.memory_space<vmem>>)
      %dma_wait3A_382 = arith.constant 15 : i32
      %dma_wait3A_383 = arith.constant 15 : i32
      %dma_wait3A_384 = arith.constant 0 : i32
      %dma_wait3A_385 = arith.constant 0 : i32
      %dma_wait3A_386 = tpu.memref_slice %arg6[%dma_wait3A_383, %dma_wait3A_384, %dma_wait3A_385] : memref<16x50x32xi32, #tpu.memory_space<vmem>> -> memref<1x50x32xi32, #tpu.memory_space<vmem>>
      %dma_wait3A_387 = tpu.memref_squeeze %dma_wait3A_386 : memref<1x50x32xi32, #tpu.memory_space<vmem>> -> memref<50x32xi32, #tpu.memory_space<vmem>>
      %dma_wait3A_388 = arith.constant 0 : i32
      %dma_wait3A_389 = tpu.memref_slice %arg5[%dma_wait3A_382, %dma_wait3A_388] : memref<16x50xi32, #tpu.memory_space<vmem>> -> memref<1x50xi32, #tpu.memory_space<vmem>>
      %dma_wait3A_390 = tpu.memref_squeeze %dma_wait3A_389 : memref<1x50xi32, #tpu.memory_space<vmem>> -> memref<50xi32, #tpu.memory_space<vmem>>
      %dma_wait3A_391 = arith.constant 0 : i32
      %dma_wait3A_392 = arith.constant 0 : i32
      %dma_wait3A_393 = tpu.memref_slice %arg3[%dma_wait3A_391, %dma_wait3A_392] : memref<1000000x32xi32, #tpu.memory_space<hbm>> -> memref<1000000x32xi32, #tpu.memory_space<hbm>>
      tpu.wait_indirect_dma semaphore(%arg8 : memref<!tpu.dma_semaphore, #tpu.memory_space<semaphore_mem>>) src(%dma_wait3A_393 : memref<1000000x32xi32, #tpu.memory_space<hbm>>) dst(%dma_wait3A_387 : memref<50x32xi32, #tpu.memory_space<vmem>>)
      %scan3A_394 = arith.constant 0 : i32
      %scan3A_395 = arith.constant 0 : i32
      %scan3A_396 = arith.constant 160 : i32
      %scan3A_397 = arith.addi %scan3A_395, %scan3A_396 : i32
      %scan3A_398 = arith.constant 1 : i32
      scf.for %scan3A_400 = %scan3A_395 to %scan3A_397 step %scan3A_398  : i32 {
        %jit3A = arith.constant 10 : i32
        %div3A = arith.divsi %scan3A_400, %jit3A : i32
        %sign3A = arith.constant 0 : i32
        %sign3A_401 = arith.cmpi sgt, %scan3A_400, %sign3A : i32
        %sign3A_402 = arith.extui %sign3A_401 : i1 to i32
        %sign3A_403 = arith.constant 0 : i32
        %sign3A_404 = arith.cmpi slt, %scan3A_400, %sign3A_403 : i32
        %sign3A_405 = arith.extui %sign3A_404 : i1 to i32
        %sign3A_406 = arith.subi %sign3A_402, %sign3A_405 : i32
        %sign3A_407 = arith.constant 0 : i32
        %sign3A_408 = arith.cmpi sgt, %jit3A, %sign3A_407 : i32
        %sign3A_409 = arith.extui %sign3A_408 : i1 to i32
        %sign3A_410 = arith.constant 0 : i32
        %sign3A_411 = arith.cmpi slt, %jit3A, %sign3A_410 : i32
        %sign3A_412 = arith.extui %sign3A_411 : i1 to i32
        %sign3A_413 = arith.subi %sign3A_409, %sign3A_412 : i32
        %ne3A = arith.cmpi ne, %sign3A_406, %sign3A_413 : i32
        %rem3A = arith.remsi %scan3A_400, %jit3A : i32
        %ne3A_414 = arith.constant 0 : i32
        %ne3A_415 = arith.cmpi ne, %rem3A, %ne3A_414 : i32
        %and3A = arith.andi %ne3A, %ne3A_415 : i1
        %sub3A = arith.constant 1 : i32
        %sub3A_416 = arith.subi %div3A, %sub3A : i32
        %select_n3A = arith.select %and3A, %sub3A_416, %div3A : i32
        %jit3A_417 = arith.constant 10 : i32
        %eq3A = arith.constant 0 : i32
        %eq3A_418 = arith.cmpi eq, %jit3A_417, %eq3A : i32
        %jit3A_419 = arith.constant 1 : i32
        %select_n3A_420 = arith.select %eq3A_418, %jit3A_419, %jit3A_417 : i32
        %rem3A_421 = arith.remsi %scan3A_400, %select_n3A_420 : i32
        %ne3A_422 = arith.constant 0 : i32
        %ne3A_423 = arith.cmpi ne, %rem3A_421, %ne3A_422 : i32
        %lt3A = arith.constant 0 : i32
        %lt3A_424 = arith.cmpi slt, %rem3A_421, %lt3A : i32
        %lt3A_425 = arith.constant 0 : i32
        %lt3A_426 = arith.cmpi slt, %select_n3A_420, %lt3A_425 : i32
        %ne3A_427 = arith.xori %lt3A_424, %lt3A_426 : i1
        %and3A_428 = arith.andi %ne3A_427, %ne3A_423 : i1
        %add3A_429 = arith.addi %rem3A_421, %select_n3A_420 : i32
        %select_n3A_430 = arith.select %and3A_428, %add3A_429, %rem3A_421 : i32
        %mul3A_431 = arith.constant 5 : i32
        %mul3A_432 = arith.muli %select_n3A_430, %mul3A_431 : i32
        %add3A_433 = arith.constant 0 : i32
        %add3A_434 = arith.addi %mul3A_432, %add3A_433 : i32
        %get3A = arith.index_cast %select_n3A : i32 to index
        %get3A_435 = arith.index_cast %add3A_434 : i32 to index
        %get3A_436 = arith.constant 0 : index
        %get3A_437 = tpu.vector_load %arg6[%get3A, %get3A_435, %get3A_436] {strides = array<i32>} : memref<16x50x32xi32, #tpu.memory_space<vmem>>, vector<16xi32>,
        %bitcast3A = vector.bitcast %get3A_437 : vector<16xi32> to vector<32xbf16>
        %swap3A = arith.index_cast %select_n3A : i32 to index
        %swap3A_438 = arith.index_cast %add3A_434 : i32 to index
        %swap3A_439 = arith.constant 0 : index
        %swap3A_440 = tpu.vector_load %arg7[%swap3A, %swap3A_438, %swap3A_439] {strides = array<i32>} : memref<16x50x64xbf16, #tpu.memory_space<vmem>>, vector<32xbf16>,
        tpu.vector_store %arg7[%swap3A, %swap3A_438, %swap3A_439], %bitcast3A {strides = array<i32>} : memref<16x50x64xbf16, #tpu.memory_space<vmem>>, vector<32xbf16>,
        %get3A_441 = arith.index_cast %select_n3A : i32 to index
        %get3A_442 = arith.index_cast %add3A_434 : i32 to index
        %get3A_443 = arith.constant 16 : index
        %get3A_444 = tpu.vector_load %arg6[%get3A_441, %get3A_442, %get3A_443] {strides = array<i32>} : memref<16x50x32xi32, #tpu.memory_space<vmem>>, vector<16xi32>,
        %bitcast3A_445 = vector.bitcast %get3A_444 : vector<16xi32> to vector<32xbf16>
        %swap3A_446 = arith.index_cast %select_n3A : i32 to index
        %swap3A_447 = arith.index_cast %add3A_434 : i32 to index
        %swap3A_448 = arith.constant 32 : index
        %swap3A_449 = tpu.vector_load %arg7[%swap3A_446, %swap3A_447, %swap3A_448] {strides = array<i32>} : memref<16x50x64xbf16, #tpu.memory_space<vmem>>, vector<32xbf16>,
        tpu.vector_store %arg7[%swap3A_446, %swap3A_447, %swap3A_448], %bitcast3A_445 {strides = array<i32>} : memref<16x50x64xbf16, #tpu.memory_space<vmem>>, vector<32xbf16>,
        %add3A_450 = arith.constant 1 : i32
        %add3A_451 = arith.addi %mul3A_432, %add3A_450 : i32
        %get3A_452 = arith.index_cast %select_n3A : i32 to index
        %get3A_453 = arith.index_cast %add3A_451 : i32 to index
        %get3A_454 = arith.constant 0 : index
        %get3A_455 = tpu.vector_load %arg6[%get3A_452, %get3A_453, %get3A_454] {strides = array<i32>} : memref<16x50x32xi32, #tpu.memory_space<vmem>>, vector<16xi32>,
        %bitcast3A_456 = vector.bitcast %get3A_455 : vector<16xi32> to vector<32xbf16>
        %swap3A_457 = arith.index_cast %select_n3A : i32 to index
        %swap3A_458 = arith.index_cast %add3A_451 : i32 to index
        %swap3A_459 = arith.constant 0 : index
        %swap3A_460 = tpu.vector_load %arg7[%swap3A_457, %swap3A_458, %swap3A_459] {strides = array<i32>} : memref<16x50x64xbf16, #tpu.memory_space<vmem>>, vector<32xbf16>,
        tpu.vector_store %arg7[%swap3A_457, %swap3A_458, %swap3A_459], %bitcast3A_456 {strides = array<i32>} : memref<16x50x64xbf16, #tpu.memory_space<vmem>>, vector<32xbf16>,
        %get3A_461 = arith.index_cast %select_n3A : i32 to index
        %get3A_462 = arith.index_cast %add3A_451 : i32 to index
        %get3A_463 = arith.constant 16 : index
        %get3A_464 = tpu.vector_load %arg6[%get3A_461, %get3A_462, %get3A_463] {strides = array<i32>} : memref<16x50x32xi32, #tpu.memory_space<vmem>>, vector<16xi32>,
        %bitcast3A_465 = vector.bitcast %get3A_464 : vector<16xi32> to vector<32xbf16>
        %swap3A_466 = arith.index_cast %select_n3A : i32 to index
        %swap3A_467 = arith.index_cast %add3A_451 : i32 to index
        %swap3A_468 = arith.constant 32 : index
        %swap3A_469 = tpu.vector_load %arg7[%swap3A_466, %swap3A_467, %swap3A_468] {strides = array<i32>} : memref<16x50x64xbf16, #tpu.memory_space<vmem>>, vector<32xbf16>,
        tpu.vector_store %arg7[%swap3A_466, %swap3A_467, %swap3A_468], %bitcast3A_465 {strides = array<i32>} : memref<16x50x64xbf16, #tpu.memory_space<vmem>>, vector<32xbf16>,
        %add3A_470 = arith.constant 2 : i32
        %add3A_471 = arith.addi %mul3A_432, %add3A_470 : i32
        %get3A_472 = arith.index_cast %select_n3A : i32 to index
        %get3A_473 = arith.index_cast %add3A_471 : i32 to index
        %get3A_474 = arith.constant 0 : index
        %get3A_475 = tpu.vector_load %arg6[%get3A_472, %get3A_473, %get3A_474] {strides = array<i32>} : memref<16x50x32xi32, #tpu.memory_space<vmem>>, vector<16xi32>,
        %bitcast3A_476 = vector.bitcast %get3A_475 : vector<16xi32> to vector<32xbf16>
        %swap3A_477 = arith.index_cast %select_n3A : i32 to index
        %swap3A_478 = arith.index_cast %add3A_471 : i32 to index
        %swap3A_479 = arith.constant 0 : index
        %swap3A_480 = tpu.vector_load %arg7[%swap3A_477, %swap3A_478, %swap3A_479] {strides = array<i32>} : memref<16x50x64xbf16, #tpu.memory_space<vmem>>, vector<32xbf16>,
        tpu.vector_store %arg7[%swap3A_477, %swap3A_478, %swap3A_479], %bitcast3A_476 {strides = array<i32>} : memref<16x50x64xbf16, #tpu.memory_space<vmem>>, vector<32xbf16>,
        %get3A_481 = arith.index_cast %select_n3A : i32 to index
        %get3A_482 = arith.index_cast %add3A_471 : i32 to index
        %get3A_483 = arith.constant 16 : index
        %get3A_484 = tpu.vector_load %arg6[%get3A_481, %get3A_482, %get3A_483] {strides = array<i32>} : memref<16x50x32xi32, #tpu.memory_space<vmem>>, vector<16xi32>,
        %bitcast3A_485 = vector.bitcast %get3A_484 : vector<16xi32> to vector<32xbf16>
        %swap3A_486 = arith.index_cast %select_n3A : i32 to index
        %swap3A_487 = arith.index_cast %add3A_471 : i32 to index
        %swap3A_488 = arith.constant 32 : index
        %swap3A_489 = tpu.vector_load %arg7[%swap3A_486, %swap3A_487, %swap3A_488] {strides = array<i32>} : memref<16x50x64xbf16, #tpu.memory_space<vmem>>, vector<32xbf16>,
        tpu.vector_store %arg7[%swap3A_486, %swap3A_487, %swap3A_488], %bitcast3A_485 {strides = array<i32>} : memref<16x50x64xbf16, #tpu.memory_space<vmem>>, vector<32xbf16>,
        %add3A_490 = arith.constant 3 : i32
        %add3A_491 = arith.addi %mul3A_432, %add3A_490 : i32
        %get3A_492 = arith.index_cast %select_n3A : i32 to index
        %get3A_493 = arith.index_cast %add3A_491 : i32 to index
        %get3A_494 = arith.constant 0 : index
        %get3A_495 = tpu.vector_load %arg6[%get3A_492, %get3A_493, %get3A_494] {strides = array<i32>} : memref<16x50x32xi32, #tpu.memory_space<vmem>>, vector<16xi32>,
        %bitcast3A_496 = vector.bitcast %get3A_495 : vector<16xi32> to vector<32xbf16>
        %swap3A_497 = arith.index_cast %select_n3A : i32 to index
        %swap3A_498 = arith.index_cast %add3A_491 : i32 to index
        %swap3A_499 = arith.constant 0 : index
        %swap3A_500 = tpu.vector_load %arg7[%swap3A_497, %swap3A_498, %swap3A_499] {strides = array<i32>} : memref<16x50x64xbf16, #tpu.memory_space<vmem>>, vector<32xbf16>,
        tpu.vector_store %arg7[%swap3A_497, %swap3A_498, %swap3A_499], %bitcast3A_496 {strides = array<i32>} : memref<16x50x64xbf16, #tpu.memory_space<vmem>>, vector<32xbf16>,
        %get3A_501 = arith.index_cast %select_n3A : i32 to index
        %get3A_502 = arith.index_cast %add3A_491 : i32 to index
        %get3A_503 = arith.constant 16 : index
        %get3A_504 = tpu.vector_load %arg6[%get3A_501, %get3A_502, %get3A_503] {strides = array<i32>} : memref<16x50x32xi32, #tpu.memory_space<vmem>>, vector<16xi32>,
        %bitcast3A_505 = vector.bitcast %get3A_504 : vector<16xi32> to vector<32xbf16>
        %swap3A_506 = arith.index_cast %select_n3A : i32 to index
        %swap3A_507 = arith.index_cast %add3A_491 : i32 to index
        %swap3A_508 = arith.constant 32 : index
        %swap3A_509 = tpu.vector_load %arg7[%swap3A_506, %swap3A_507, %swap3A_508] {strides = array<i32>} : memref<16x50x64xbf16, #tpu.memory_space<vmem>>, vector<32xbf16>,
        tpu.vector_store %arg7[%swap3A_506, %swap3A_507, %swap3A_508], %bitcast3A_505 {strides = array<i32>} : memref<16x50x64xbf16, #tpu.memory_space<vmem>>, vector<32xbf16>,
        %add3A_510 = arith.constant 4 : i32
        %add3A_511 = arith.addi %mul3A_432, %add3A_510 : i32
        %get3A_512 = arith.index_cast %select_n3A : i32 to index
        %get3A_513 = arith.index_cast %add3A_511 : i32 to index
        %get3A_514 = arith.constant 0 : index
        %get3A_515 = tpu.vector_load %arg6[%get3A_512, %get3A_513, %get3A_514] {strides = array<i32>} : memref<16x50x32xi32, #tpu.memory_space<vmem>>, vector<16xi32>,
        %bitcast3A_516 = vector.bitcast %get3A_515 : vector<16xi32> to vector<32xbf16>
        %swap3A_517 = arith.index_cast %select_n3A : i32 to index
        %swap3A_518 = arith.index_cast %add3A_511 : i32 to index
        %swap3A_519 = arith.constant 0 : index
        %swap3A_520 = tpu.vector_load %arg7[%swap3A_517, %swap3A_518, %swap3A_519] {strides = array<i32>} : memref<16x50x64xbf16, #tpu.memory_space<vmem>>, vector<32xbf16>,
        tpu.vector_store %arg7[%swap3A_517, %swap3A_518, %swap3A_519], %bitcast3A_516 {strides = array<i32>} : memref<16x50x64xbf16, #tpu.memory_space<vmem>>, vector<32xbf16>,
        %get3A_521 = arith.index_cast %select_n3A : i32 to index
        %get3A_522 = arith.index_cast %add3A_511 : i32 to index
        %get3A_523 = arith.constant 16 : index
        %get3A_524 = tpu.vector_load %arg6[%get3A_521, %get3A_522, %get3A_523] {strides = array<i32>} : memref<16x50x32xi32, #tpu.memory_space<vmem>>, vector<16xi32>,
        %bitcast3A_525 = vector.bitcast %get3A_524 : vector<16xi32> to vector<32xbf16>
        %swap3A_526 = arith.index_cast %select_n3A : i32 to index
        %swap3A_527 = arith.index_cast %add3A_511 : i32 to index
        %swap3A_528 = arith.constant 32 : index
        %swap3A_529 = tpu.vector_load %arg7[%swap3A_526, %swap3A_527, %swap3A_528] {strides = array<i32>} : memref<16x50x64xbf16, #tpu.memory_space<vmem>>, vector<32xbf16>,
        tpu.vector_store %arg7[%swap3A_526, %swap3A_527, %swap3A_528], %bitcast3A_525 {strides = array<i32>} : memref<16x50x64xbf16, #tpu.memory_space<vmem>>, vector<32xbf16>,
      }
      %scan3A_399 = arith.constant 160 : i32
      "tpu.region"() ({
        %run_scoped3A = tpu.sem_alloc : memref<!tpu.dma_semaphore, #tpu.memory_space<semaphore_mem>>
        %dma_start3A_400 = arith.constant 0 : i32
        %dma_start3A_401 = arith.constant 0 : i32
        %dma_start3A_402 = tpu.memref_slice %arg4[%add3A_11, %dma_start3A_400, %dma_start3A_401] : memref<16384x50x64xbf16, #tpu.memory_space<hbm>> -> memref<16x50x64xbf16, #tpu.memory_space<hbm>>
        %dma_start3A_403 = arith.constant 0 : i32
        %dma_start3A_404 = arith.constant 0 : i32
        %dma_start3A_405 = tpu.memref_slice %arg4[%add3A_11, %dma_start3A_403, %dma_start3A_404] : memref<16384x50x64xbf16, #tpu.memory_space<hbm>> -> memref<16x50x64xbf16, #tpu.memory_space<hbm>>
        tpu.enqueue_dma source(%arg7 : memref<16x50x64xbf16, #tpu.memory_space<vmem>>) target(%dma_start3A_405 : memref<16x50x64xbf16, #tpu.memory_space<hbm>>) target_semaphore(%run_scoped3A : memref<!tpu.dma_semaphore, #tpu.memory_space<semaphore_mem>>)
        %dma_wait3A_406 = arith.constant 0 : i32
        %dma_wait3A_407 = arith.constant 0 : i32
        %dma_wait3A_408 = tpu.memref_slice %arg4[%add3A_11, %dma_wait3A_406, %dma_wait3A_407] : memref<16384x50x64xbf16, #tpu.memory_space<hbm>> -> memref<16x50x64xbf16, #tpu.memory_space<hbm>>
        %dma_wait3A_409 = arith.constant 0 : i32
        %dma_wait3A_410 = arith.constant 0 : i32
        %dma_wait3A_411 = tpu.memref_slice %arg4[%add3A_11, %dma_wait3A_409, %dma_wait3A_410] : memref<16384x50x64xbf16, #tpu.memory_space<hbm>> -> memref<16x50x64xbf16, #tpu.memory_space<hbm>>
        tpu.wait_dma2 semaphore(%run_scoped3A : memref<!tpu.dma_semaphore, #tpu.memory_space<semaphore_mem>>) src(%arg7 : memref<16x50x64xbf16, #tpu.memory_space<vmem>>) dst(%dma_wait3A_411 : memref<16x50x64xbf16, #tpu.memory_space<hbm>>)
        tpu.yield
      }) : () -> ()
    }
    %scan3A_7 = arith.constant 32 : i32
    return
  }
}

</mosaic_0001>

<sc_bundles>
// kernel: _embed_call.4.cloned.1.call-start
scs
__scs_entry_jumppad:
0x0: {  	(pc) =	sbr.rel $0x88, $3  }
0x1: {  	(tag) =	ssettag $0x0;
	lr =	simm.s32 $0x1  }
0x2: {  	[smem:$0x3F9F] =	sst lr;
	_ =	strace $0xD0000000  }
0x3: {  	_ = 	snop  }
0x4: {  	_ = 	snop  }
0x5: {  	_ = 	snop  }
0x6: {  	_ = 	snop  }
0x7: {  	_ = 	snop  }
__scs_overlays_trampoline_lowered:
0x8: {  	[smem:$0x3FAE] =	sst s0  }
0x9: {  	[smem:$0x3FAF] =	sst s1  }
0xa: {  	[smem:$0x3FB0] =	sst s2  }
0xb: {  	[smem:$0x3FB1] =	sst s3  }
0xc: {  	[smem:$0x3FB2] =	sst s4  }
0xd: {  	[smem:$0x3FB3] =	sst s5  }
0xe: {  	[smem:$0x3FB4] =	sst s6  }
0xf: {  	[smem:$0x3FB5] =	sst s7  }
0x10: {  	[smem:$0x3FB6] =	sst s8  }
0x11: {  	[smem:$0x3FB7] =	sst s9;
	s0 =	simm.s32 @!p0 $0x0  }
0x12: {  	s1 =	sld [smem:$0x3F9D];
	s0 =	simm.s32 @p0 $0x1  }
0x13: {  	[smem:$0x3FB8] =	sst s0;
	s0 =	simm.s32 @!p1 $0x0  }
0x14: {  	s2 =	sld [smem:$0x3F9C];
	s0 =	simm.s32 @p1 $0x1  }
0x15: {  	[smem:$0x3FB9] =	sst s0;
	s0 =	simm.s32 @!p2 $0x0  }
0x16: {  	s3 =	sld [smem:$0x3FDB];
	s0 =	simm.s32 @p2 $0x1  }
0x17: {  	s4 =	simm.s32 $0x1BF5;
	[smem:$0x3FBB] =	sst s0  }
0x18: {  	s0 =	sld [smem:$0x3F9E];
	_ =	swait.ge [sflag:s4], $0x0  }
0x19: {  	s7 =	sld [smem:$0x3F9F]  }
0x1a: {  	s8 =	sadd.s32 $0xFFFFE003, lr  }
0x1b: {  	s9 =	sadd.s32 $0xFFFFFEF7, lr;
	s5 =	simm.s32 $0xFFFFFFFF;
	p2 =	slt.u32 s8, $0xFFFFF086  }
0x1c: {  	p1 =	slt.u32 s9, $0xF7A;
	s5 =	simm.s32 @!p2 $0x0  }
0x1d: {  	s5 =	simm.s32 @p1 $0x1;
	p0 =	seq.s32 s7, s2  }
0x1e: {  	s7 =	smul.u32 @!p0 $0xF7A, s2;
	p2 =	seq.s32 @!p0 s5, $0x0  }
0x1f: {  	s9 =	smul.u32 $0xF7A, s1;
	s8 =	simm.s32 @!p0 $0x1BF5;
	p2 =	por !p2, p0  }
0x20: {  	[sflag:s8] =	ssyncset.s32 @!p0 $0xFFFFF086;
	s6 =	sadd.s32 @!p0 s3, s7;
	s7 =	simm.s32 @!p0 $0x108  }
0x21: {  	s3 =	sadd.s32 s3, s9;
	s6 =	sadd.s32 @!p0 $0x88, s6;
	s7 =	simm.s32 @p2 $0x1082  }
0x22: {  	[simem:s7], [sflag:s8] =	dma.local @!p0 [hbm:s6], $0xF7A  }
0x23: {  	s9 =	sor.u32 $0xD0000000, s2;
	s6 =	simm.s32 $0x108;
	_ =	swait.ge @!p0 [sflag:s8], $0x0  }
0x24: {  	s3 =	sadd.s32 $0x88, s3;
	s6 =	simm.s32 @!p1 $0x1082;
	[sflag:s4] =	ssyncset.s32 $0xFFFFF086  }
0x25: {  	[simem:s6], [sflag:s4] =	dma.local [hbm:s3], $0xF7A  }
0x26: {  	[smem:$0x3F9F] =	sst s1;
	(tag) =	ssettag s2;
	_ =	strace s9  }
0x27: {  	s1 =	sld [smem:$0x3FAF]  }
0x28: {  	s2 =	sld [smem:$0x3FB0]  }
0x29: {  	s4 =	sld [smem:$0x3FB2]  }
0x2a: {  	p0 =	seq.s32 s5, $0x0;
	s5 =	sld [smem:$0x3FB3]  }
0x2b: {  	s6 =	sld [smem:$0x3FB4]  }
0x2c: {  	s7 =	sld [smem:$0x3FB5]  }
0x2d: {  	s3 =	simm.s32 $0x108;
	s8 =	sld [smem:$0x3FB6]  }
0x2e: {  	s3 =	simm.s32 @!p0 $0x1082;
	s9 =	sld [smem:$0x3FB7]  }
0x2f: {  	lr =	sadd.s32 s0, s3;
	s0 =	sld [smem:$0x3FAE]  }
0x30: {  	s3 =	sld [smem:$0x3FB1]  }
0x31: {  	[smem:$0x3FBA] =	sst s10  }
0x32: {  	s10 =	sld [smem:$0x3FB8];
	_ =	sdelay $0x3  }
0x33: {  	p0 =	seq.s32 s10, $0x1;
	s10 =	sld [smem:$0x3FBA];
	_ =	sdelay $0x3  }
0x34: {  	[smem:$0x3FBA] =	sst s10  }
0x35: {  	s10 =	sld [smem:$0x3FB9];
	_ =	sdelay $0x3  }
0x36: {  	p1 =	seq.s32 s10, $0x1;
	s10 =	sld [smem:$0x3FBA];
	_ =	sdelay $0x3  }
0x37: {  	[smem:$0x3FBA] =	sst s10  }
0x38: {  	s10 =	sld [smem:$0x3FBB]  }
0x39: {  	_ = 	snop;
	(pc) =	sbr.ind lr, $3  }
0x3a: {  	_ = 	snop  }
0x3b: {  	_ = 	snop  }
0x3c: {  	p2 =	seq.s32 s10, $0x1;
	s10 =	sld [smem:$0x3FBA]  }
0x3d: {  	_ =	shalt  }
0x3e: {  	_ =	shalt  }
0x3f: {  	_ =	shalt  }
0x40: {  	_ =	shalt  }
0x41: {  	_ =	shalt  }
0x42: {  	_ =	shalt  }
0x43: {  	_ =	shalt  }
0x44: {  	_ =	shalt  }
0x45: {  	_ =	shalt  }
0x46: {  	_ =	shalt  }
0x47: {  	_ =	shalt  }
0x48: {  	_ =	shalt  }
0x49: {  	_ =	shalt  }
0x4a: {  	_ =	shalt  }
0x4b: {  	_ =	shalt  }
0x4c: {  	_ =	shalt  }
0x4d: {  	_ =	shalt  }
0x4e: {  	_ =	shalt  }
0x4f: {  	_ =	shalt  }
0x50: {  	_ =	shalt  }
0x51: {  	_ =	shalt  }
0x52: {  	_ =	shalt  }
0x53: {  	_ =	shalt  }
0x54: {  	_ =	shalt  }
0x55: {  	_ =	shalt  }
0x56: {  	_ =	shalt  }
0x57: {  	_ =	shalt  }
0x58: {  	_ =	shalt  }
0x59: {  	_ =	shalt  }
0x5a: {  	_ =	shalt  }
0x5b: {  	_ =	shalt  }
0x5c: {  	_ =	shalt  }
0x5d: {  	_ =	shalt  }
0x5e: {  	_ =	shalt  }
0x5f: {  	_ =	shalt  }
0x60: {  	_ =	shalt  }
0x61: {  	_ =	shalt  }
0x62: {  	_ =	shalt  }
0x63: {  	_ =	shalt  }
0x64: {  	_ =	shalt  }
0x65: {  	_ =	shalt  }
0x66: {  	_ =	shalt  }
0x67: {  	_ =	shalt  }
0x68: {  	_ =	shalt  }
0x69: {  	_ =	shalt  }
0x6a: {  	_ =	shalt  }
0x6b: {  	_ =	shalt  }
0x6c: {  	_ =	shalt  }
0x6d: {  	_ =	shalt  }
0x6e: {  	_ =	shalt  }
0x6f: {  	_ =	shalt  }
0x70: {  	_ =	shalt  }
0x71: {  	_ =	shalt  }
0x72: {  	_ =	shalt  }
0x73: {  	_ =	shalt  }
0x74: {  	_ =	shalt  }
0x75: {  	_ =	shalt  }
0x76: {  	_ =	shalt  }
0x77: {  	_ =	shalt  }
0x78: {  	_ =	shalt  }
0x79: {  	_ =	shalt  }
0x7a: {  	_ =	shalt  }
0x7b: {  	_ =	shalt  }
0x7c: {  	_ =	shalt  }
0x7d: {  	_ =	shalt  }
0x7e: {  	_ =	shalt  }
0x7f: {  	_ =	shalt  }
0x80: {  	_ =	shalt  }
0x81: {  	_ =	shalt  }
0x82: {  	_ =	shalt  }
0x83: {  	_ =	shalt  }
0x84: {  	_ =	shalt  }
0x85: {  	_ =	shalt  }
0x86: {  	_ =	shalt  }
0x87: {  	_ =	shalt  }
.Lfunc_end0:
.L_simem_size_0:
called_computation.2_lowered:
.L_overlay_start_0:
0x88: {  	s2 =	sld [smem:$0x3FD9]  }
0x89: {  	s3 =	sld [smem:$0x3FFE];
	_ =	sdelay $0x1  }
0x8a: {  	s1 =	srdreg.scid  }
0x8b: {  	s0 =	sand.u32 $0x1, s1  }
0x8c: {  	s16 =	sshll.u32 s0, $0xA;
	s2 =	sadd.s32 s3, s2  }
0x8d: {  	s2 =	sadd.s32 s2, s16  }
0x8e: {  	[smem:$0x3FC6] =	sst s2  }
0x8f: {  	_ = 	snop  }
0x90: {  	(tm) =	ssettm $0x1  }
0x91: {  	s17 =	sld [smem:$0x3FFB];
	_ =	sdelay $0x3  }
0x92: {  	_ =	strace s17  }
0x93: {  	s2 =	sld [smem:$0x3FFC];
	_ =	sdelay $0x3  }
0x94: {  	_ =	strace s2  }
0x95: {  	s2 =	sld [smem:$0x3FFD];
	_ =	sdelay $0x3  }
0x96: {  	_ =	strace s2  }
0x97: {  	_ =	strace $0x8FFFFFFF  }
0x98: {  	s18 =	sld [smem:$0x3FDB];
	_ =	sdelay $0x1  }
0x99: {  	s19 =	simm.s32 $_scs_section_size  }
0x9a: {  	s4 =	simm.s32 $_size__tile_overlayer_lowered;
	s5 =	simm.s32 $_tile_overlayer_lowered  }
0x9b: {  	s22 =	simm.s32 $0x1BFF;
	s21 =	sshll.u32 s5, $0x1;
	s2 =	sadd.s32 s19, s18  }
0x9c: {  	s6 =	simm.s32 $0x0;
	s20 =	sshll.u32 s4, $0x1;
	s4 =	sadd.s32 s21, s2  }
0x9d: {  	[timem:s6], [sflag:s22] =	dma.local [hbm:s4], s20  }
0x9e: {  	_ =	swait.ge [sflag:s22], s20  }
0x9f: {  	s3 =	ssub.s32 $0x0, s20;
	[sflag:s22] =	ssyncset.done $0x0  }
0xa0: {  	[sflag:s22] =	ssyncadd.s32 s3;
	_ =	sdelay $0x1  }
0xa1: {  	s23 =	simm.s32 $0x1B8B  }
0xa2: {  	_ =	swait.ge [sflag:s23], $0x1  }
0xa3: {  	[sflag:s23] =	ssyncset.done $0x0  }
0xa4: {  	s25 =	simm.s32 $0x1B8E;
	s24 =	sld [smem:$0x3FFE];
	[sflag:s23] =	ssyncadd.s32 $0xFFFFFFFF  }
0xa5: {  	s26 =	simm.s32 $execute0_lowered;
	[smem:$0x3FD2] =	sst s25  }
0xa6: {  	s4 =	sshll.u32 s26, $0x1;
	_ =	strace $0x80000049;
	[dreg:$0x1] =	wrdreg $0xFFFFFFFF  }
0xa7: {  	s28 =	simm.s32 $_size_execute0_lowered;
	s2 =	sadd.s32 s2, s4;
	[dreg:$0x0] =	wrdreg $0x0  }
0xa8: {  	s4 =	sshll.u32 s28, $0x1;
	[dreg:$0x2] =	wrdreg s2  }
0xa9: {  	[dreg:$0x3] =	wrdreg s4  }
0xaa: {  	[dreg:$0x4] =	wrdreg $0xC0  }
0xab: {  	_ =	task [dreg:s6], $0x5FFFF  }
0xac: {  	[dreg:$0x1] =	wrdreg $0xFFFFFFFF  }
0xad: {  	[dreg:$0x0] =	wrdreg $0x60  }
0xae: {  	[dreg:$0x2] =	wrdreg s24  }
0xaf: {  	[dreg:$0x3] =	wrdreg $0x9  }
0xb0: {  	_ =	task.clear_ibuf [dreg:s6], $0x4FFFF;
	_ =	strace $0x90000049  }
0xb1: {  	s29 =	simm.s32 $0x9;
	_ =	strace $0x8000004B  }
0xb2: {  	_ =	swait.ge [sflag:s29], $0x1  }
0xb3: {  	[sflag:s29] =	ssyncadd.s32 $0xFFFFFFFF  }
0xb4: {  	_ =	strace $0x9000004B  }
0xb5: {  	_ =	sfence  }
0xb6: {  	s30 =	sld [smem:$0x0];
	_ =	sdelay $0x2  }
0xb7: {  	s31 =	sshll.u32 s1, $0xD;
	s1 =	sshrl.u32 s1, $0x2  }
0xb8: {  	s3 =	sand.u32 $0x4000, s31;
	s1 =	sadd.s32 s1, s30  }
0xb9: {  	s0 =	sor.u32 s3, s0;
	s1 =	sshll.u32 s1, $0x11  }
0xba: {  	s0 =	sor.u32 s1, s0  }
0xbb: {  	s0 =	sadd.s32 $0x8F2B, s0  }
0xbc: {  	[sflag:s0] =	ssyncadd.remote.s32 $0x1  }
0xbd: {  	_ =	sfence.sel $0xFFFF  }
0xbe: {  	[dreg:$0x0] =	wrdreg $0xFFFFFFFF;
	(pc) =	sbr.abs _section_cstart, $3  }
0xbf: {  	[dreg:$0x1] =	wrdreg $0xFFFFFFFF  }
0xc0: {  	_ =	task.clear_ibuf [dreg:s6], $0x2FFFF;
	_ =	strace $0x9FFFFFFF  }
0xc1: {  	(tm) =	ssettm $0x7FFFFFFF  }
tec
execute0_lowered:
.L_overlay_start_1:
0x0: {  	(tag) =	ssettag $0x1  }
0x1: {  	s4 =	rddreg [dreg:$0x0];
	s1 =	srdreg.scid  }
0x2: {  	s0 =	rddreg [dreg:$0x1];
	s2 =	simm.s32 $0x0;
	s9 =	simm.s32 $0x0  }
0x3: {  	s5 =	sand.u32 $0x1, s1;
	[smem:$0x7FF] =	sst s2;
	s1 =	stileid.u32  }
0x4: {  	s3 =	sadd.s32 $0x3D1C00, s4;
	s4 =	sadd.s32 $0x1200, s4;
	s6 =	ssub.s32 $0x2, s5  }
0x5: {  	_ =	strace $0x8000004A;
	s8 =	sshll.u32 s1, $0x1;
	s7 =	sshrl.u32 s6, $0x1  }
0x6: {  	s5 =	sor.u32 s5, s8;
	s8 =	simm.s32 $0x9C40;
	s6 =	ssub.s32 s6, s7  }
0x7: {  	s5 =	smul.u32 $0x7A12, s5;
	s7 =	simm.s32 $0x1;
	s6 =	smax.u32 s6, $0x1  }
.LBB2_1:
0x8: {  	s10 =	simm.s32 $0x0  }
.LBB2_2:
0x9: {  	s11 =	smul.u32 $0x4E2, s10;
	_ =	sdelay $0x1  }
0xa: {  	s11 =	sadd.s32 s5, s11  }
0xb: {  	s11 =	sshll.u32 s11, $0x2  }
0xc: {  	s12 =	sadd.s32 s3, s11  }
0xd: {  	[tilespmem:s2], [sflag:$0x1] =	stream.linear.gather [hbm4b:s12+s2], $0x9C40, $0x38;
	[tilespmem:$0x13880] =	vst v63  }
0xe: {  	_ =	swait.ge [sflag:s7], $0x9C40  }
0xf: {  	[sflag:s7] =	ssyncset.done $0x0  }
0x10: {  	s12 =	simm.s32 $0x90;
	[sflag:s7] =	ssyncadd.s32 $0xFFFF63C0  }
0x11: {  	v1 =	vld [tilespmem:s12+$0x0]  }
0x12: {  	v2 =	vld [tilespmem:s12+$0xFFFFFF70]  }
0x13: {  	v3 =	vld [tilespmem:s12+$0xFFFFFF80]  }
0x14: {  	v4 =	vld [tilespmem:s12+$0xFFFFFF90]  }
0x15: {  	v5 =	vld [tilespmem:s12+$0xFFFFFFA0]  }
0x16: {  	v0 =	vld [tilespmem:s12+$0xFFFFFFB0];
	[tilespmem:s12+$0x9C40] =	vst v1  }
0x17: {  	[tilespmem:s12+$0x9BB0] =	vst v2;
	v1 =	vld [tilespmem:s12+$0xFFFFFFC0]  }
0x18: {  	[tilespmem:s12+$0x9BC0] =	vst v3;
	v2 =	vld [tilespmem:s12+$0xFFFFFFD0]  }
0x19: {  	[tilespmem:s12+$0x9BD0] =	vst v4;
	v3 =	vld [tilespmem:s12+$0xFFFFFFE0]  }
0x1a: {  	s13 =	simm.s32 $0x130;
	s14 =	simm.s32 $0x740;
	[tilespmem:s12+$0x9BE0] =	vst v5;
	v4 =	vld [tilespmem:s12+$0xFFFFFFF0]  }
.LBB2_3:
0x1b: {  	p0 =	sne.s32 s14, $0x270C0;
	v5 =	vld [tilespmem:s13+$0x0];
	[tilespmem:s12+$0x9BF0] =	vst v0  }
0x1c: {  	v6 =	vld [tilespmem:s13+$0xFFFFFF70];
	[tilespmem:s12+$0x9C00] =	vst v1  }
0x1d: {  	v7 =	vld [tilespmem:s13+$0xFFFFFF80];
	[tilespmem:s12+$0x9C10] =	vst v2  }
0x1e: {  	v8 =	vld [tilespmem:s13+$0xFFFFFF90];
	[tilespmem:s12+$0x9C20] =	vst v3  }
0x1f: {  	v9 =	vld [tilespmem:s13+$0xFFFFFFA0];
	[tilespmem:s12+$0x9C30] =	vst v4;
	s12 =	smov.u32 s13  }
.Ltmp0:
0x20: {  	v0 =	vld [tilespmem:s12+$0xFFFFFFB0];
	[tilespmem:s12+$0x9C40] =	vst v5;
	(pc) =	sbr.rel @p0 .LBB2_3-.Ltmp0, $4  }
0x21: {  	[tilespmem:s12+$0x9BB0] =	vst v6;
	v1 =	vld [tilespmem:s12+$0xFFFFFFC0]  }
0x22: {  	[tilespmem:s12+$0x9BC0] =	vst v7;
	v2 =	vld [tilespmem:s12+$0xFFFFFFD0]  }
0x23: {  	[tilespmem:s12+$0x9BD0] =	vst v8;
	v3 =	vld [tilespmem:s12+$0xFFFFFFE0]  }
0x24: {  	s13 =	sshra.s32 s14, $0x2;
	s14 =	sadd.s32 $0x280, s14;
	[tilespmem:s12+$0x9BE0] =	vst v9;
	v4 =	vld [tilespmem:s12+$0xFFFFFFF0]  }
0x25: {  	v5 =	vld [tilespmem:s13+$0x0];
	[tilespmem:s12+$0x9BF0] =	vst v0  }
0x26: {  	v0 =	vld [tilespmem:s13+$0xFFFFFF70];
	[tilespmem:s12+$0x9C00] =	vst v1  }
0x27: {  	v1 =	vld [tilespmem:s13+$0xFFFFFF80];
	[tilespmem:s12+$0x9C10] =	vst v2  }
0x28: {  	v2 =	vld [tilespmem:s13+$0xFFFFFF90];
	[tilespmem:s12+$0x9C20] =	vst v3  }
0x29: {  	v3 =	vld [tilespmem:s13+$0xFFFFFFA0];
	[tilespmem:s12+$0x9C30] =	vst v4  }
0x2a: {  	v4 =	vld [tilespmem:s13+$0xFFFFFFB0];
	[tilespmem:s13+$0x9C40] =	vst v5  }
0x2b: {  	v60 =	vld [tilespmem:s13+$0xFFFFFFC0];
	[tilespmem:s13+$0x9BB0] =	vst v0  }
0x2c: {  	v61 =	vld [tilespmem:s13+$0xFFFFFFD0];
	[tilespmem:s13+$0x9BC0] =	vst v1  }
0x2d: {  	v62 =	vld [tilespmem:s13+$0xFFFFFFE0];
	[tilespmem:s13+$0x9BD0] =	vst v2  }
0x2e: {  	v63 =	vld [tilespmem:s13+$0xFFFFFFF0];
	[tilespmem:s13+$0x9BE0] =	vst v3  }
0x2f: {  	[tilespmem:s13+$0x9BF0] =	vst v4  }
0x30: {  	[tilespmem:s13+$0x9C00] =	vst v60  }
0x31: {  	s10 =	sadd.s32 $0x1, s10;
	[tilespmem:s13+$0x9C10] =	vst v61  }
0x32: {  	p0 =	sne.s32 s10, $0x19;
	[tilespmem:s13+$0x9C20] =	vst v62  }
.Ltmp1:
0x33: {  	s11 =	sadd.s32 s4, s11;
	[tilespmem:s13+$0x9C30] =	vst v63;
	(pc) =	sbr.rel @p0 .LBB2_2-.Ltmp1, $4  }
0x34: {  	[hbm4b:s11+s2] =	stream.linear.scatter [tilespmem:s8], [sflag:$0x1], $0x9C40, $0x38;
	[tilespmem:$0x13880] =	vst v63  }
0x35: {  	_ =	swait.ge [sflag:s7], $0x9C40  }
0x36: {  	[sflag:s7] =	ssyncset.done $0x0  }
0x37: {  	[sflag:s7] =	ssyncadd.s32 $0xFFFF63C0  }
0x38: {  	s9 =	sadd.s32 $0x1, s9  }
0x39: {  	p0 =	sne.s32 s9, s6  }
.Ltmp2:
0x3a: {  	_ = 	snop;
	(pc) =	sbr.rel @p0 .LBB2_1-.Ltmp2, $1  }
0x3b: {  	_ =	sdelay $0x3  }
0x3c: {  	_ =	sfence.sel $0x180000  }
0x3d: {  	[bflag:$0x0] =	sbarrier.arrive $0xFFFF  }
0x3e: {  	p0 =	sne.s32 s1, $0x0;
	_ =	strace $0x9000004A  }
0x3f: {  	s0 =	sadd.s32 @!p0 $0x100000, s0;
	[bflag:$0x2] =	sbarrier.arrive $0xFFFF  }
0x40: {  	[sflag:s0] =	ssyncadd.tile.s32 @!p0 $0x1;
	_ =	shalt  }
.Lfunc_end2:
_tile_overlayer_lowered:
.L_overlay_start_2:
0x41: {  	(tag) =	ssettag $0x2  }
0x42: {  	s0 =	rddreg [dreg:$0x0];
	s2 =	stileid.u32  }
0x43: {  	s1 =	rddreg [dreg:$0x1];
	p0 =	sne.s32 s2, $0x0  }
0x44: {  	s3 =	rddreg [dreg:$0x2];
	[bflag:$0x3] =	sbarrier.arrive $0xFFFF;
	s2 =	simm.s32 @!p0 $0x1C01  }
0x45: {  	[timem:s3], [sflag:s2] =	dma.local @!p0 [hbm:s0], s1  }
0x46: {  	s0 =	simm.s32 @!p0 $0x1  }
0x47: {  	_ =	swait.ge @!p0 [sflag:s0], s1  }
0x48: {  	s1 =	ssub.s32 @!p0 $0x0, s1;
	[sflag:s0] =	ssyncset.done @!p0 $0x0  }
0x49: {  	[sflag:s0] =	ssyncadd.s32 @!p0 s1  }
0x4a: {  	[bflag:$0x3] =	sbarrier.arrive $0xFFFF  }
0x4b: {  	_ =	shalt  }

// kernel: _embed_call.7.cloned.1.call-start
scs
__scs_entry_jumppad:
0x0: {  	(pc) =	sbr.rel $0x88, $3  }
0x1: {  	(tag) =	ssettag $0x0;
	lr =	simm.s32 $0x1  }
0x2: {  	[smem:$0x3F9F] =	sst lr;
	_ =	strace $0xD0000000  }
0x3: {  	_ = 	snop  }
0x4: {  	_ = 	snop  }
0x5: {  	_ = 	snop  }
0x6: {  	_ = 	snop  }
0x7: {  	_ = 	snop  }
__scs_overlays_trampoline_lowered:
0x8: {  	[smem:$0x3FAE] =	sst s0  }
0x9: {  	[smem:$0x3FAF] =	sst s1  }
0xa: {  	[smem:$0x3FB0] =	sst s2  }
0xb: {  	[smem:$0x3FB1] =	sst s3  }
0xc: {  	[smem:$0x3FB2] =	sst s4  }
0xd: {  	[smem:$0x3FB3] =	sst s5  }
0xe: {  	[smem:$0x3FB4] =	sst s6  }
0xf: {  	[smem:$0x3FB5] =	sst s7  }
0x10: {  	[smem:$0x3FB6] =	sst s8  }
0x11: {  	[smem:$0x3FB7] =	sst s9;
	s0 =	simm.s32 @!p0 $0x0  }
0x12: {  	s1 =	sld [smem:$0x3F9D];
	s0 =	simm.s32 @p0 $0x1  }
0x13: {  	[smem:$0x3FB8] =	sst s0;
	s0 =	simm.s32 @!p1 $0x0  }
0x14: {  	s2 =	sld [smem:$0x3F9C];
	s0 =	simm.s32 @p1 $0x1  }
0x15: {  	[smem:$0x3FB9] =	sst s0;
	s0 =	simm.s32 @!p2 $0x0  }
0x16: {  	s3 =	sld [smem:$0x3FDB];
	s0 =	simm.s32 @p2 $0x1  }
0x17: {  	s4 =	simm.s32 $0x1BF5;
	[smem:$0x3FBB] =	sst s0  }
0x18: {  	s0 =	sld [smem:$0x3F9E];
	_ =	swait.ge [sflag:s4], $0x0  }
0x19: {  	s7 =	sld [smem:$0x3F9F]  }
0x1a: {  	s8 =	sadd.s32 $0xFFFFE003, lr  }
0x1b: {  	s9 =	sadd.s32 $0xFFFFFEF7, lr;
	s5 =	simm.s32 $0xFFFFFFFF;
	p2 =	slt.u32 s8, $0xFFFFF086  }
0x1c: {  	p1 =	slt.u32 s9, $0xF7A;
	s5 =	simm.s32 @!p2 $0x0  }
0x1d: {  	s5 =	simm.s32 @p1 $0x1;
	p0 =	seq.s32 s7, s2  }
0x1e: {  	s7 =	smul.u32 @!p0 $0xF7A, s2;
	p2 =	seq.s32 @!p0 s5, $0x0  }
0x1f: {  	s9 =	smul.u32 $0xF7A, s1;
	s8 =	simm.s32 @!p0 $0x1BF5;
	p2 =	por !p2, p0  }
0x20: {  	[sflag:s8] =	ssyncset.s32 @!p0 $0xFFFFF086;
	s6 =	sadd.s32 @!p0 s3, s7;
	s7 =	simm.s32 @!p0 $0x108  }
0x21: {  	s3 =	sadd.s32 s3, s9;
	s6 =	sadd.s32 @!p0 $0x88, s6;
	s7 =	simm.s32 @p2 $0x1082  }
0x22: {  	[simem:s7], [sflag:s8] =	dma.local @!p0 [hbm:s6], $0xF7A  }
0x23: {  	s9 =	sor.u32 $0xD0000000, s2;
	s6 =	simm.s32 $0x108;
	_ =	swait.ge @!p0 [sflag:s8], $0x0  }
0x24: {  	s3 =	sadd.s32 $0x88, s3;
	s6 =	simm.s32 @!p1 $0x1082;
	[sflag:s4] =	ssyncset.s32 $0xFFFFF086  }
0x25: {  	[simem:s6], [sflag:s4] =	dma.local [hbm:s3], $0xF7A  }
0x26: {  	[smem:$0x3F9F] =	sst s1;
	(tag) =	ssettag s2;
	_ =	strace s9  }
0x27: {  	s1 =	sld [smem:$0x3FAF]  }
0x28: {  	s2 =	sld [smem:$0x3FB0]  }
0x29: {  	s4 =	sld [smem:$0x3FB2]  }
0x2a: {  	p0 =	seq.s32 s5, $0x0;
	s5 =	sld [smem:$0x3FB3]  }
0x2b: {  	s6 =	sld [smem:$0x3FB4]  }
0x2c: {  	s7 =	sld [smem:$0x3FB5]  }
0x2d: {  	s3 =	simm.s32 $0x108;
	s8 =	sld [smem:$0x3FB6]  }
0x2e: {  	s3 =	simm.s32 @!p0 $0x1082;
	s9 =	sld [smem:$0x3FB7]  }
0x2f: {  	lr =	sadd.s32 s0, s3;
	s0 =	sld [smem:$0x3FAE]  }
0x30: {  	s3 =	sld [smem:$0x3FB1]  }
0x31: {  	[smem:$0x3FBA] =	sst s10  }
0x32: {  	s10 =	sld [smem:$0x3FB8];
	_ =	sdelay $0x3  }
0x33: {  	p0 =	seq.s32 s10, $0x1;
	s10 =	sld [smem:$0x3FBA];
	_ =	sdelay $0x3  }
0x34: {  	[smem:$0x3FBA] =	sst s10  }
0x35: {  	s10 =	sld [smem:$0x3FB9];
	_ =	sdelay $0x3  }
0x36: {  	p1 =	seq.s32 s10, $0x1;
	s10 =	sld [smem:$0x3FBA];
	_ =	sdelay $0x3  }
0x37: {  	[smem:$0x3FBA] =	sst s10  }
0x38: {  	s10 =	sld [smem:$0x3FBB]  }
0x39: {  	_ = 	snop;
	(pc) =	sbr.ind lr, $3  }
0x3a: {  	_ = 	snop  }
0x3b: {  	_ = 	snop  }
0x3c: {  	p2 =	seq.s32 s10, $0x1;
	s10 =	sld [smem:$0x3FBA]  }
0x3d: {  	_ =	shalt  }
0x3e: {  	_ =	shalt  }
0x3f: {  	_ =	shalt  }
0x40: {  	_ =	shalt  }
0x41: {  	_ =	shalt  }
0x42: {  	_ =	shalt  }
0x43: {  	_ =	shalt  }
0x44: {  	_ =	shalt  }
0x45: {  	_ =	shalt  }
0x46: {  	_ =	shalt  }
0x47: {  	_ =	shalt  }
0x48: {  	_ =	shalt  }
0x49: {  	_ =	shalt  }
0x4a: {  	_ =	shalt  }
0x4b: {  	_ =	shalt  }
0x4c: {  	_ =	shalt  }
0x4d: {  	_ =	shalt  }
0x4e: {  	_ =	shalt  }
0x4f: {  	_ =	shalt  }
0x50: {  	_ =	shalt  }
0x51: {  	_ =	shalt  }
0x52: {  	_ =	shalt  }
0x53: {  	_ =	shalt  }
0x54: {  	_ =	shalt  }
0x55: {  	_ =	shalt  }
0x56: {  	_ =	shalt  }
0x57: {  	_ =	shalt  }
0x58: {  	_ =	shalt  }
0x59: {  	_ =	shalt  }
0x5a: {  	_ =	shalt  }
0x5b: {  	_ =	shalt  }
0x5c: {  	_ =	shalt  }
0x5d: {  	_ =	shalt  }
0x5e: {  	_ =	shalt  }
0x5f: {  	_ =	shalt  }
0x60: {  	_ =	shalt  }
0x61: {  	_ =	shalt  }
0x62: {  	_ =	shalt  }
0x63: {  	_ =	shalt  }
0x64: {  	_ =	shalt  }
0x65: {  	_ =	shalt  }
0x66: {  	_ =	shalt  }
0x67: {  	_ =	shalt  }
0x68: {  	_ =	shalt  }
0x69: {  	_ =	shalt  }
0x6a: {  	_ =	shalt  }
0x6b: {  	_ =	shalt  }
0x6c: {  	_ =	shalt  }
0x6d: {  	_ =	shalt  }
0x6e: {  	_ =	shalt  }
0x6f: {  	_ =	shalt  }
0x70: {  	_ =	shalt  }
0x71: {  	_ =	shalt  }
0x72: {  	_ =	shalt  }
0x73: {  	_ =	shalt  }
0x74: {  	_ =	shalt  }
0x75: {  	_ =	shalt  }
0x76: {  	_ =	shalt  }
0x77: {  	_ =	shalt  }
0x78: {  	_ =	shalt  }
0x79: {  	_ =	shalt  }
0x7a: {  	_ =	shalt  }
0x7b: {  	_ =	shalt  }
0x7c: {  	_ =	shalt  }
0x7d: {  	_ =	shalt  }
0x7e: {  	_ =	shalt  }
0x7f: {  	_ =	shalt  }
0x80: {  	_ =	shalt  }
0x81: {  	_ =	shalt  }
0x82: {  	_ =	shalt  }
0x83: {  	_ =	shalt  }
0x84: {  	_ =	shalt  }
0x85: {  	_ =	shalt  }
0x86: {  	_ =	shalt  }
0x87: {  	_ =	shalt  }
.Lfunc_end0:
.L_simem_size_0:
called_computation.3_lowered:
.L_overlay_start_0:
0x88: {  	s2 =	sld [smem:$0x3FD9]  }
0x89: {  	s3 =	sld [smem:$0x3FFE];
	_ =	sdelay $0x1  }
0x8a: {  	s1 =	srdreg.scid  }
0x8b: {  	s0 =	sand.u32 $0x1, s1  }
0x8c: {  	s17 =	sshll.u32 s0, $0xA;
	s2 =	sadd.s32 s3, s2  }
0x8d: {  	s2 =	sadd.s32 s2, s17  }
0x8e: {  	[smem:$0x3FC6] =	sst s2  }
0x8f: {  	_ = 	snop  }
0x90: {  	s2 =	sld [smem:$0x3FD0];
	(tm) =	ssettm $0x1  }
0x91: {  	s18 =	sld [smem:$0x3FFB];
	_ =	sdelay $0x3  }
0x92: {  	_ =	strace s18  }
0x93: {  	s3 =	sld [smem:$0x3FFC];
	_ =	sdelay $0x3  }
0x94: {  	_ =	strace s3  }
0x95: {  	s3 =	sld [smem:$0x3FFD];
	_ =	sdelay $0x3  }
0x96: {  	_ =	strace s3  }
0x97: {  	_ =	strace $0x8FFFFFFF  }
0x98: {  	s19 =	sld [smem:$0x3FDB];
	_ =	sdelay $0x1  }
0x99: {  	s4 =	simm.s32 $_scs_section_size  }
0x9a: {  	s5 =	simm.s32 $_size__tile_overlayer_lowered;
	s6 =	simm.s32 $_tile_overlayer_lowered  }
0x9b: {  	s22 =	simm.s32 $0x1BFF;
	s21 =	sshll.u32 s6, $0x1;
	s3 =	sadd.s32 s4, s19  }
0x9c: {  	s7 =	simm.s32 $0x0;
	s20 =	sshll.u32 s5, $0x1;
	s5 =	sadd.s32 s21, s3  }
0x9d: {  	[timem:s7], [sflag:s22] =	dma.local [hbm:s5], s20  }
0x9e: {  	_ =	swait.ge [sflag:s22], s20  }
0x9f: {  	s4 =	ssub.s32 $0x0, s20;
	[sflag:s22] =	ssyncset.done $0x0  }
0xa0: {  	[sflag:s22] =	ssyncadd.s32 s4;
	_ =	sdelay $0x1  }
0xa1: {  	s23 =	simm.s32 $0x1B8B  }
0xa2: {  	_ =	swait.ge [sflag:s23], $0x1  }
0xa3: {  	[sflag:s23] =	ssyncset.done $0x0  }
0xa4: {  	s25 =	simm.s32 $0x1B8E;
	s24 =	sld [smem:$0x3FFE];
	[sflag:s23] =	ssyncadd.s32 $0xFFFFFFFF  }
0xa5: {  	s26 =	simm.s32 $execute0_lowered;
	[smem:$0x3FD2] =	sst s25  }
0xa6: {  	s5 =	sshll.u32 s26, $0x1;
	_ =	strace $0x8000004C;
	[dreg:$0x1] =	wrdreg $0xFFFFFFFF  }
0xa7: {  	s28 =	simm.s32 $_size_execute0_lowered;
	s3 =	sadd.s32 s3, s5;
	[dreg:$0x0] =	wrdreg $0x0  }
0xa8: {  	s5 =	sshll.u32 s28, $0x1;
	[dreg:$0x2] =	wrdreg s3  }
0xa9: {  	[dreg:$0x3] =	wrdreg s5  }
0xaa: {  	[dreg:$0x4] =	wrdreg $0xC0  }
0xab: {  	_ =	task [dreg:s7], $0x5FFFF  }
0xac: {  	[dreg:$0x1] =	wrdreg $0xFFFFFFFF  }
0xad: {  	[dreg:$0x0] =	wrdreg $0x60  }
0xae: {  	[dreg:$0x2] =	wrdreg s2  }
0xaf: {  	[dreg:$0x3] =	wrdreg s24  }
0xb0: {  	[dreg:$0x4] =	wrdreg $0x9  }
0xb1: {  	_ =	task.clear_ibuf [dreg:s7], $0x5FFFF;
	_ =	strace $0x9000004C  }
0xb2: {  	s29 =	simm.s32 $0x9;
	_ =	strace $0x8000004E  }
0xb3: {  	_ =	swait.ge [sflag:s29], $0x1  }
0xb4: {  	[sflag:s29] =	ssyncadd.s32 $0xFFFFFFFF  }
0xb5: {  	_ =	strace $0x9000004E  }
0xb6: {  	_ =	sfence  }
0xb7: {  	s30 =	sld [smem:$0x0];
	_ =	sdelay $0x2  }
0xb8: {  	s31 =	sshll.u32 s1, $0xD;
	s1 =	sshrl.u32 s1, $0x2  }
0xb9: {  	s3 =	sand.u32 $0x4000, s31;
	s1 =	sadd.s32 s1, s30  }
0xba: {  	s0 =	sor.u32 s3, s0;
	s1 =	sshll.u32 s1, $0x11  }
0xbb: {  	s0 =	sor.u32 s1, s0  }
0xbc: {  	s0 =	sadd.s32 $0x8F2B, s0  }
0xbd: {  	[sflag:s0] =	ssyncadd.remote.s32 $0x1  }
0xbe: {  	_ =	sfence.sel $0xFFFF  }
0xbf: {  	[dreg:$0x0] =	wrdreg $0xFFFFFFFF;
	(pc) =	sbr.abs _section_cstart, $3  }
0xc0: {  	[dreg:$0x1] =	wrdreg $0xFFFFFFFF  }
0xc1: {  	_ =	task.clear_ibuf [dreg:s7], $0x2FFFF;
	_ =	strace $0x9FFFFFFF  }
0xc2: {  	(tm) =	ssettm $0x7FFFFFFF  }
0xc3: {  	_ =	shalt  }
tec
execute0_lowered:
.L_overlay_start_1:
0x0: {  	(tag) =	ssettag $0x1  }
0x1: {  	s0 =	rddreg [dreg:$0x1]  }
0x2: {  	s2 =	simm.s32 $0x0;
	s1 =	srdreg.scid;
	s5 =	stileid.u32  }
0x3: {  	s8 =	simm.s32 $0x2;
	s9 =	simm.s32 $0x32;
	s28 =	simm.s32 $0x1F8  }
0x4: {  	s29 =	simm.s32 $0x3BC0;
	s30 =	simm.s32 $0x230;
	s31 =	simm.s32 $0x4200  }
0x5: {  	s7 =	simm.s32 $0x2A0;
	s10 =	simm.s32 $0x54C0;
	s11 =	simm.s32 $0x310  }
0x6: {  	s12 =	simm.s32 $0x5B00;
	s13 =	simm.s32 $0x348;
	s14 =	simm.s32 $0x6140  }
0x7: {  	s15 =	simm.s32 $0x1;
	s16 =	simm.s32 $0x6780;
	s18 =	simm.s32 $0x0  }
0x8: {  	[smem:$0x7FF] =	sst s2;
	s1 =	sand.u32 $0x1, s1;
	s4 =	sadd.s32 $0x1200, s0  }
0x9: {  	s25 =	sshll.u32 s5, $0xA;
	s5 =	sadd.s32 $0x3D1C00, s0;
	s24 =	ssub.s32 $0x2, s1  }
0xa: {  	s0 =	simm.s32 $0x268;
	s1 =	sshll.u32 s1, $0x9;
	s3 =	sshrl.u32 s24, $0x1  }
0xb: {  	_ =	strace $0x8000004D;
	s6 =	sor.u32 s1, s25;
	s2 =	ssub.s32 s24, s3  }
0xc: {  	s1 =	simm.s32 $0x4E80;
	s3 =	simm.s32 $0x4840;
	s26 =	smax.u32 s2, $0x1  }
0xd: {  	s2 =	simm.s32 $0x2D8;
	[dreg:$0x3] =	wrdreg s26;
	s26 =	simm.s32 $0x3580  }
.LBB2_1:
0xe: {  	[dreg:$0x4] =	wrdreg s18;
	s17 =	simm.s32 $0x0  }
.LBB2_2:
0xf: {  	s18 =	sshll.u32 s17, $0x4  }
0x10: {  	s18 =	sadd.s32 s6, s18  }
0x11: {  	s19 =	smul.u32 $0x7, s18  }
0x12: {  	s20 =	rddreg [dreg:$0x0]  }
0x13: {  	s19 =	sadd.s32 s20, s19;
	s20 =	simm.s32 $0x0  }
0x14: {  	[tilespmem:s20], [sflag:$0x2] =	stream.linear.gather [hbm4b:s19+s20], $0x380, $0x38;
	[tilespmem:$0xCB80] =	vst v63  }
0x15: {  	_ =	swait.ge [sflag:s8], $0x380  }
0x16: {  	[sflag:s8] =	ssyncset.done $0x0  }
0x17: {  	s24 =	simm.s32 $0x380;
	[sflag:s8] =	ssyncadd.s32 $0xFFFFFC80  }
0x18: {  	[tilespmem:s24], [sflag:$0x1] =	stream.indirect.gather [hbm4b:s4+s9], $0x20, s20, s9, $0xb8;
	[tilespmem:$0xCB80] =	vst v63  }
0x19: {  	s25 =	simm.s32 $0x38;
	s21 =	simm.s32 $0x9C0  }
0x1a: {  	[tilespmem:s21], [sflag:$0x1] =	stream.indirect.gather [hbm4b:s4+s9], $0x20, s25, s9, $0xb8;
	[tilespmem:$0xCB80] =	vst v63  }
0x1b: {  	s22 =	simm.s32 $0x70;
	s23 =	simm.s32 $0x1000  }
0x1c: {  	[tilespmem:s23], [sflag:$0x1] =	stream.indirect.gather [hbm4b:s4+s9], $0x20, s22, s9, $0xb8;
	[tilespmem:$0xCB80] =	vst v63  }
0x1d: {  	s24 =	simm.s32 $0xA8;
	s25 =	simm.s32 $0x1640  }
0x1e: {  	[tilespmem:s25], [sflag:$0x1] =	stream.indirect.gather [hbm4b:s4+s9], $0x20, s24, s9, $0xb8;
	[tilespmem:$0xCB80] =	vst v63  }
0x1f: {  	s22 =	simm.s32 $0xE0;
	s23 =	simm.s32 $0x1C80  }
0x20: {  	[tilespmem:s23], [sflag:$0x1] =	stream.indirect.gather [hbm4b:s4+s9], $0x20, s22, s9, $0xb8;
	[tilespmem:$0xCB80] =	vst v63  }
0x21: {  	s24 =	simm.s32 $0x118;
	s25 =	simm.s32 $0x22C0  }
0x22: {  	[tilespmem:s25], [sflag:$0x1] =	stream.indirect.gather [hbm4b:s4+s9], $0x20, s24, s9, $0xb8;
	[tilespmem:$0xCB80] =	vst v63  }
0x23: {  	s22 =	simm.s32 $0x150;
	s23 =	simm.s32 $0x2900  }
0x24: {  	[tilespmem:s23], [sflag:$0x1] =	stream.indirect.gather [hbm4b:s4+s9], $0x20, s22, s9, $0xb8;
	[tilespmem:$0xCB80] =	vst v63  }
0x25: {  	s24 =	simm.s32 $0x188;
	s25 =	simm.s32 $0x2F40  }
0x26: {  	[tilespmem:s25], [sflag:$0x1] =	stream.indirect.gather [hbm4b:s4+s9], $0x20, s24, s9, $0xb8;
	[tilespmem:$0xCB80] =	vst v63  }
0x27: {  	s21 =	simm.s32 $0x1C0  }
0x28: {  	[tilespmem:s26], [sflag:$0x1] =	stream.indirect.gather [hbm4b:s4+s9], $0x20, s21, s9, $0xb8;
	[tilespmem:$0xCB80] =	vst v63  }
0x29: {  	_ = 	snop  }
0x2a: {  	[tilespmem:s29], [sflag:$0x1] =	stream.indirect.gather [hbm4b:s4+s9], $0x20, s28, s9, $0xb8;
	[tilespmem:$0xCB80] =	vst v63  }
0x2b: {  	_ = 	snop  }
0x2c: {  	[tilespmem:s31], [sflag:$0x1] =	stream.indirect.gather [hbm4b:s4+s9], $0x20, s30, s9, $0xb8;
	[tilespmem:$0xCB80] =	vst v63  }
0x2d: {  	_ = 	snop  }
0x2e: {  	[tilespmem:s3], [sflag:$0x1] =	stream.indirect.gather [hbm4b:s4+s9], $0x20, s0, s9, $0xb8;
	[tilespmem:$0xCB80] =	vst v63  }
0x2f: {  	_ = 	snop  }
0x30: {  	[tilespmem:s1], [sflag:$0x1] =	stream.indirect.gather [hbm4b:s4+s9], $0x20, s7, s9, $0xb8;
	[tilespmem:$0xCB80] =	vst v63  }
0x31: {  	_ = 	snop  }
0x32: {  	[tilespmem:s10], [sflag:$0x1] =	stream.indirect.gather [hbm4b:s4+s9], $0x20, s2, s9, $0xb8;
	[tilespmem:$0xCB80] =	vst v63  }
0x33: {  	_ = 	snop  }
0x34: {  	[tilespmem:s12], [sflag:$0x1] =	stream.indirect.gather [hbm4b:s4+s9], $0x20, s11, s9, $0xb8;
	[tilespmem:$0xCB80] =	vst v63  }
0x35: {  	_ = 	snop  }
0x36: {  	[tilespmem:s14], [sflag:$0x1] =	stream.indirect.gather [hbm4b:s4+s9], $0x20, s13, s9, $0xb8;
	[tilespmem:$0xCB80] =	vst v63  }
0x37: {  	_ =	swait.ge [sflag:s15], $0x640  }
0x38: {  	[sflag:s15] =	ssyncset.done $0x0  }
0x39: {  	[sflag:s15] =	ssyncadd.s32 $0xFFFFF9C0  }
0x3a: {  	_ =	swait.ge [sflag:s15], $0x640  }
0x3b: {  	[sflag:s15] =	ssyncset.done $0x0  }
0x3c: {  	[sflag:s15] =	ssyncadd.s32 $0xFFFFF9C0  }
0x3d: {  	_ =	swait.ge [sflag:s15], $0x640  }
0x3e: {  	[sflag:s15] =	ssyncset.done $0x0  }
0x3f: {  	[sflag:s15] =	ssyncadd.s32 $0xFFFFF9C0  }
0x40: {  	_ =	swait.ge [sflag:s15], $0x640  }
0x41: {  	[sflag:s15] =	ssyncset.done $0x0  }
0x42: {  	[sflag:s15] =	ssyncadd.s32 $0xFFFFF9C0  }
0x43: {  	_ =	swait.ge [sflag:s15], $0x640  }
0x44: {  	[sflag:s15] =	ssyncset.done $0x0  }
0x45: {  	[sflag:s15] =	ssyncadd.s32 $0xFFFFF9C0  }
0x46: {  	_ =	swait.ge [sflag:s15], $0x640  }
0x47: {  	[sflag:s15] =	ssyncset.done $0x0  }
0x48: {  	[sflag:s15] =	ssyncadd.s32 $0xFFFFF9C0  }
0x49: {  	_ =	swait.ge [sflag:s15], $0x640  }
0x4a: {  	[sflag:s15] =	ssyncset.done $0x0  }
0x4b: {  	[sflag:s15] =	ssyncadd.s32 $0xFFFFF9C0  }
0x4c: {  	_ =	swait.ge [sflag:s15], $0x640  }
0x4d: {  	[sflag:s15] =	ssyncset.done $0x0  }
0x4e: {  	[sflag:s15] =	ssyncadd.s32 $0xFFFFF9C0  }
0x4f: {  	_ =	swait.ge [sflag:s15], $0x640  }
0x50: {  	[sflag:s15] =	ssyncset.done $0x0  }
0x51: {  	[sflag:s15] =	ssyncadd.s32 $0xFFFFF9C0  }
0x52: {  	_ =	swait.ge [sflag:s15], $0x640  }
0x53: {  	[sflag:s15] =	ssyncset.done $0x0  }
0x54: {  	[sflag:s15] =	ssyncadd.s32 $0xFFFFF9C0  }
0x55: {  	_ =	swait.ge [sflag:s15], $0x640  }
0x56: {  	[sflag:s15] =	ssyncset.done $0x0  }
0x57: {  	[sflag:s15] =	ssyncadd.s32 $0xFFFFF9C0  }
0x58: {  	_ =	swait.ge [sflag:s15], $0x640  }
0x59: {  	[sflag:s15] =	ssyncset.done $0x0  }
0x5a: {  	[sflag:s15] =	ssyncadd.s32 $0xFFFFF9C0  }
0x5b: {  	s22 =	smul.u32 $0xCD, s20;
	_ =	swait.ge [sflag:s15], $0x640  }
0x5c: {  	[sflag:s15] =	ssyncset.done $0x0  }
0x5d: {  	s19 =	sshrl.u32 s22, $0xB;
	[sflag:s15] =	ssyncadd.s32 $0xFFFFF9C0  }
0x5e: {  	s19 =	sand.u32 $0x1F, s19;
	_ =	swait.ge [sflag:s15], $0x640  }
0x5f: {  	s23 =	smul.u32 $0xA, s19;
	[sflag:s15] =	ssyncset.done $0x0  }
0x60: {  	[sflag:s15] =	ssyncadd.s32 $0xFFFFF9C0  }
0x61: {  	s20 =	ssub.s32 $0x0, s23;
	_ =	swait.ge [sflag:s15], $0x640  }
0x62: {  	s19 =	smul.u32 $0x1900, s19;
	s20 =	sand.u32 $0xFF, s20;
	[sflag:s15] =	ssyncset.done $0x0  }
0x63: {  	s20 =	smul.u32 $0x280, s20;
	[sflag:s15] =	ssyncadd.s32 $0xFFFFF9C0  }
0x64: {  	s19 =	sshrl.u32 s19, $0x2;
	_ =	swait.ge [sflag:s15], $0x640  }
0x65: {  	s21 =	sadd.s32 $0x380, s19;
	s20 =	sshrl.u32 s20, $0x2;
	[sflag:s15] =	ssyncset.done $0x0  }
0x66: {  	s22 =	sadd.s32 s20, s21;
	[sflag:s15] =	ssyncadd.s32 $0xFFFFF9C0  }
0x67: {  	v0 =	vld [tilespmem:s22+$0x0];
	_ =	sdelay $0x2  }
0x68: {  	s19 =	sadd.s32 $0x6780, s19  }
0x69: {  	s23 =	sadd.s32 s20, s19  }
0x6a: {  	[tilespmem:s23+$0x0] =	vst v0  }
0x6b: {  	v0 =	vld [tilespmem:s22+$0x10];
	_ =	sdelay $0x3  }
0x6c: {  	s24 =	sadd.s32 $0x20, s20  }
0x6d: {  	s25 =	sadd.s32 s24, s21;
	[tilespmem:s23+$0x10] =	vst v0  }
0x6e: {  	v0 =	vld [tilespmem:s25+$0x0];
	_ =	sdelay $0x3  }
0x6f: {  	s22 =	sadd.s32 s24, s19  }
0x70: {  	[tilespmem:s22+$0x0] =	vst v0  }
0x71: {  	v0 =	vld [tilespmem:s25+$0x10];
	_ =	sdelay $0x3  }
0x72: {  	s24 =	sadd.s32 $0x40, s20  }
0x73: {  	s25 =	sadd.s32 s24, s21;
	[tilespmem:s22+$0x10] =	vst v0  }
0x74: {  	v0 =	vld [tilespmem:s25+$0x0];
	_ =	sdelay $0x3  }
0x75: {  	s23 =	sadd.s32 s24, s19  }
0x76: {  	[tilespmem:s23+$0x0] =	vst v0  }
0x77: {  	v0 =	vld [tilespmem:s25+$0x10];
	_ =	sdelay $0x3  }
0x78: {  	s24 =	sadd.s32 $0x60, s20  }
0x79: {  	s25 =	sadd.s32 s24, s21;
	[tilespmem:s23+$0x10] =	vst v0  }
0x7a: {  	v0 =	vld [tilespmem:s25+$0x0];
	_ =	sdelay $0x3  }
0x7b: {  	s22 =	sadd.s32 s24, s19  }
0x7c: {  	[tilespmem:s22+$0x0] =	vst v0  }
0x7d: {  	v0 =	vld [tilespmem:s25+$0x10];
	_ =	sdelay $0x1  }
0x7e: {  	s24 =	simm.s32 $0x1  }
0x7f: {  	s23 =	smul.u32 $0xCD, s24  }
0x80: {  	s20 =	sadd.s32 $0x80, s20  }
0x81: {  	s21 =	sadd.s32 s20, s21;
	s23 =	sshrl.u32 s23, $0xB;
	[tilespmem:s22+$0x10] =	vst v0  }
0x82: {  	s25 =	sand.u32 $0x1F, s23;
	v0 =	vld [tilespmem:s21+$0x0]  }
0x83: {  	s23 =	smul.u32 $0xA, s25;
	_ =	sdelay $0x1  }
0x84: {  	s23 =	ssub.s32 $0x1, s23  }
0x85: {  	s24 =	sand.u32 $0xFF, s23;
	s23 =	sadd.s32 s20, s19  }
0x86: {  	[tilespmem:s23+$0x0] =	vst v0  }
0x87: {  	s22 =	smul.u32 $0x1900, s25;
	v0 =	vld [tilespmem:s21+$0x10]  }
0x88: {  	s25 =	smul.u32 $0x280, s24  }
0x89: {  	s24 =	sshrl.u32 s22, $0x2  }
0x8a: {  	s20 =	simm.s32 $0x2;
	s19 =	sadd.s32 $0x380, s24;
	s21 =	sshrl.u32 s25, $0x2  }
.LBB2_3:
0x8b: {  	p0 =	sne.s32 s20, $0x9F  }
0x8c: {  	s25 =	sadd.s32 s21, s19;
	[tilespmem:s23+$0x10] =	vst v0;
	s22 =	smov.u32 s20;
	s20 =	sadd.s32 $0x1, s20  }
0x8d: {  	v0 =	vld [tilespmem:s25+$0x0];
	_ =	sdelay $0x2  }
0x8e: {  	s23 =	sadd.s32 $0x6780, s24  }
0x8f: {  	s24 =	sadd.s32 s21, s23  }
0x90: {  	[tilespmem:s24+$0x0] =	vst v0  }
0x91: {  	v0 =	vld [tilespmem:s25+$0x10];
	_ =	sdelay $0x3  }
0x92: {  	s25 =	sadd.s32 $0x20, s21  }
0x93: {  	[tilespmem:s24+$0x10] =	vst v0;
	s24 =	sadd.s32 s25, s19  }
0x94: {  	v0 =	vld [tilespmem:s24+$0x0];
	_ =	sdelay $0x3  }
0x95: {  	s25 =	sadd.s32 s25, s23  }
0x96: {  	[tilespmem:s25+$0x0] =	vst v0  }
0x97: {  	v0 =	vld [tilespmem:s24+$0x10];
	_ =	sdelay $0x3  }
0x98: {  	s24 =	sadd.s32 $0x40, s21  }
0x99: {  	[tilespmem:s25+$0x10] =	vst v0;
	s25 =	sadd.s32 s24, s19  }
0x9a: {  	v0 =	vld [tilespmem:s25+$0x0];
	_ =	sdelay $0x3  }
0x9b: {  	s24 =	sadd.s32 s24, s23  }
0x9c: {  	[tilespmem:s24+$0x0] =	vst v0  }
0x9d: {  	v0 =	vld [tilespmem:s25+$0x10];
	_ =	sdelay $0x3  }
0x9e: {  	s25 =	sadd.s32 $0x60, s21  }
0x9f: {  	[tilespmem:s24+$0x10] =	vst v0;
	s24 =	sadd.s32 s25, s19  }
0xa0: {  	v0 =	vld [tilespmem:s24+$0x0];
	_ =	sdelay $0x3  }
0xa1: {  	s25 =	sadd.s32 s25, s23  }
0xa2: {  	[tilespmem:s25+$0x0] =	vst v0  }
0xa3: {  	v0 =	vld [tilespmem:s24+$0x10];
	_ =	sdelay $0x3  }
0xa4: {  	s21 =	sadd.s32 $0x80, s21  }
0xa5: {  	s19 =	sadd.s32 s21, s19;
	[tilespmem:s25+$0x10] =	vst v0  }
0xa6: {  	s24 =	smul.u32 $0xCD, s22;
	v0 =	vld [tilespmem:s19+$0x0];
	_ =	sdelay $0x1  }
0xa7: {  	s24 =	sshrl.u32 s24, $0xB  }
0xa8: {  	s24 =	sand.u32 $0x1F, s24  }
0xa9: {  	s23 =	sadd.s32 s21, s23;
	s25 =	smul.u32 $0xA, s24  }
0xaa: {  	s21 =	smul.u32 $0x1900, s24;
	[tilespmem:s23+$0x0] =	vst v0  }
.Ltmp0:
0xab: {  	s22 =	ssub.s32 s22, s25;
	v0 =	vld [tilespmem:s19+$0x10];
	(pc) =	sbr.rel @p0 .LBB2_3-.Ltmp0, $3  }
0xac: {  	s24 =	sshrl.u32 s21, $0x2;
	s19 =	sand.u32 $0xFF, s22  }
0xad: {  	s21 =	smul.u32 $0x280, s19;
	_ =	sdelay $0x1  }
0xae: {  	s19 =	sadd.s32 $0x380, s24;
	s21 =	sshrl.u32 s21, $0x2  }
0xaf: {  	s20 =	sadd.s32 s21, s19;
	[tilespmem:s23+$0x10] =	vst v0  }
0xb0: {  	v0 =	vld [tilespmem:s20+$0x0];
	_ =	sdelay $0x2  }
0xb1: {  	s22 =	sadd.s32 $0x6780, s24  }
0xb2: {  	s24 =	sadd.s32 s21, s22  }
0xb3: {  	[tilespmem:s24+$0x0] =	vst v0  }
0xb4: {  	v0 =	vld [tilespmem:s20+$0x10];
	_ =	sdelay $0x3  }
0xb5: {  	s25 =	sadd.s32 $0x20, s21  }
0xb6: {  	[tilespmem:s24+$0x10] =	vst v0;
	s24 =	sadd.s32 s25, s19  }
0xb7: {  	v0 =	vld [tilespmem:s24+$0x0];
	_ =	sdelay $0x3  }
0xb8: {  	s20 =	sadd.s32 s25, s22  }
0xb9: {  	[tilespmem:s20+$0x0] =	vst v0  }
0xba: {  	v0 =	vld [tilespmem:s24+$0x10];
	_ =	sdelay $0x3  }
0xbb: {  	s25 =	sadd.s32 $0x40, s21  }
0xbc: {  	s24 =	sadd.s32 s25, s19;
	[tilespmem:s20+$0x10] =	vst v0  }
0xbd: {  	v0 =	vld [tilespmem:s24+$0x0];
	_ =	sdelay $0x3  }
0xbe: {  	s23 =	sadd.s32 s25, s22  }
0xbf: {  	[tilespmem:s23+$0x0] =	vst v0  }
0xc0: {  	v0 =	vld [tilespmem:s24+$0x10];
	_ =	sdelay $0x3  }
0xc1: {  	s25 =	sadd.s32 $0x60, s21  }
0xc2: {  	s24 =	sadd.s32 s25, s19;
	[tilespmem:s23+$0x10] =	vst v0  }
0xc3: {  	v0 =	vld [tilespmem:s24+$0x0];
	_ =	sdelay $0x3  }
0xc4: {  	s20 =	sadd.s32 s25, s22  }
0xc5: {  	[tilespmem:s20+$0x0] =	vst v0  }
0xc6: {  	v0 =	vld [tilespmem:s24+$0x10];
	_ =	sdelay $0x3  }
0xc7: {  	s25 =	sadd.s32 $0x80, s21  }
0xc8: {  	s23 =	sadd.s32 s25, s19;
	[tilespmem:s20+$0x10] =	vst v0  }
0xc9: {  	v0 =	vld [tilespmem:s23+$0x0];
	_ =	sdelay $0x3  }
0xca: {  	s24 =	sadd.s32 s25, s22  }
0xcb: {  	[tilespmem:s24+$0x0] =	vst v0  }
0xcc: {  	v0 =	vld [tilespmem:s23+$0x10];
	_ =	sdelay $0x2  }
0xcd: {  	s18 =	smul.u32 $0xC8, s18;
	s17 =	sadd.s32 $0x1, s17  }
0xce: {  	p0 =	sne.s32 s17, $0x20  }
.Ltmp1:
0xcf: {  	s18 =	sadd.s32 s5, s18;
	s25 =	simm.s32 $0x0;
	[tilespmem:s24+$0x10] =	vst v0;
	(pc) =	sbr.rel @p0 .LBB2_2-.Ltmp1, $4  }
0xd0: {  	[hbm4b:s18+s25] =	stream.linear.scatter [tilespmem:s16], [sflag:$0x2], $0x6400, $0x38;
	[tilespmem:$0xCB80] =	vst v63  }
0xd1: {  	_ =	swait.ge [sflag:s8], $0x6400  }
0xd2: {  	[sflag:s8] =	ssyncset.done $0x0  }
0xd3: {  	[sflag:s8] =	ssyncadd.s32 $0xFFFF9C00  }
0xd4: {  	s18 =	rddreg [dreg:$0x4]  }
0xd5: {  	s17 =	rddreg [dreg:$0x3];
	s18 =	sadd.s32 $0x1, s18  }
0xd6: {  	p0 =	sne.s32 s18, s17  }
.Ltmp2:
0xd7: {  	_ = 	snop;
	(pc) =	sbr.rel @p0 .LBB2_1-.Ltmp2, $1  }
0xd8: {  	_ =	sdelay $0x3  }
0xd9: {  	_ =	sfence.sel $0x180000  }
0xda: {  	[bflag:$0x0] =	sbarrier.arrive $0xFFFF  }
0xdb: {  	_ =	strace $0x9000004D  }
0xdc: {  	s0 =	stileid.u32;
	[bflag:$0x2] =	sbarrier.arrive $0xFFFF  }
0xdd: {  	p0 =	sne.s32 s0, $0x0;
	s0 =	rddreg [dreg:$0x2]  }
0xde: {  	s0 =	sadd.s32 @!p0 $0x100000, s0  }
0xdf: {  	[sflag:s0] =	ssyncadd.tile.s32 @!p0 $0x1;
	_ =	shalt  }
.Lfunc_end2:
_tile_overlayer_lowered:
.L_overlay_start_2:
0xe0: {  	(tag) =	ssettag $0x2  }
0xe1: {  	s0 =	rddreg [dreg:$0x0];
	s2 =	stileid.u32  }
0xe2: {  	s1 =	rddreg [dreg:$0x1];
	p0 =	sne.s32 s2, $0x0  }
0xe3: {  	s3 =	rddreg [dreg:$0x2];
	[bflag:$0x3] =	sbarrier.arrive $0xFFFF;
	s2 =	simm.s32 @!p0 $0x1C02  }
0xe4: {  	[timem:s3], [sflag:s2] =	dma.local @!p0 [hbm:s0], s1  }
0xe5: {  	s0 =	simm.s32 @!p0 $0x2  }
0xe6: {  	_ =	swait.ge @!p0 [sflag:s0], s1  }
0xe7: {  	s1 =	ssub.s32 @!p0 $0x0, s1;
	[sflag:s0] =	ssyncset.done @!p0 $0x0  }
0xe8: {  	[sflag:s0] =	ssyncadd.s32 @!p0 s1  }
0xe9: {  	[bflag:$0x3] =	sbarrier.arrive $0xFFFF  }
0xea: {  	_ =	shalt  }

// kernel: sparse-core-data-format-call.1.cloned.1.call-start
scs
called_computation.1_lowered:
.L_overlay_start_0:
0x0: {  	s1 =	sld [smem:$0x3FD9]  }
0x1: {  	s2 =	sld [smem:$0x3FFE];
	_ =	sdelay $0x1  }
0x2: {  	s3 =	srdreg.scid  }
0x3: {  	s0 =	sand.u32 $0x1, s3  }
0x4: {  	s17 =	sshll.u32 s0, $0xA;
	s1 =	sadd.s32 s2, s1  }
0x5: {  	s1 =	sadd.s32 s1, s17  }
0x6: {  	[smem:$0x3FC6] =	sst s1  }
0x7: {  	_ = 	snop  }
0x8: {  	(tm) =	ssettm $0x1  }
0x9: {  	s18 =	sld [smem:$0x3FFB];
	_ =	sdelay $0x3  }
0xa: {  	_ =	strace s18  }
0xb: {  	s1 =	sld [smem:$0x3FFC];
	_ =	sdelay $0x3  }
0xc: {  	_ =	strace s1  }
0xd: {  	s1 =	sld [smem:$0x3FFD];
	_ =	sdelay $0x3  }
0xe: {  	_ =	strace s1  }
0xf: {  	_ =	strace $0x8FFFFFFF  }
0x10: {  	s19 =	sld [smem:$0x3FDB];
	_ =	sdelay $0x1  }
0x11: {  	s20 =	simm.s32 $_scs_section_size  }
0x12: {  	s4 =	simm.s32 $_size__tile_overlayer_lowered;
	s5 =	simm.s32 $_tile_overlayer_lowered  }
0x13: {  	s23 =	simm.s32 $0x1BFF;
	s22 =	sshll.u32 s5, $0x1;
	s1 =	sadd.s32 s20, s19  }
0x14: {  	s6 =	simm.s32 $0x0;
	s21 =	sshll.u32 s4, $0x1;
	s4 =	sadd.s32 s22, s1  }
0x15: {  	[timem:s6], [sflag:s23] =	dma.local [hbm:s4], s21  }
0x16: {  	_ =	swait.ge [sflag:s23], s21  }
0x17: {  	s2 =	ssub.s32 $0x0, s21;
	[sflag:s23] =	ssyncset.done $0x0  }
0x18: {  	[sflag:s23] =	ssyncadd.s32 s2;
	_ =	sdelay $0x1  }
0x19: {  	s24 =	simm.s32 $0x1B8B  }
0x1a: {  	_ =	swait.ge [sflag:s24], $0x1  }
0x1b: {  	[sflag:s24] =	ssyncset.done $0x0  }
0x1c: {  	s26 =	simm.s32 $0x1B8E;
	s25 =	sld [smem:$0x3FFE];
	[sflag:s24] =	ssyncadd.s32 $0xFFFFFFFF  }
0x1d: {  	s27 =	simm.s32 $execute0_lowered;
	[smem:$0x3FD2] =	sst s26  }
0x1e: {  	s4 =	sshll.u32 s27, $0x1;
	_ =	strace $0x80000046;
	[dreg:$0x1] =	wrdreg $0xFFFFFFFF  }
0x1f: {  	s28 =	simm.s32 $_size_execute0_lowered;
	s1 =	sadd.s32 s1, s4;
	[dreg:$0x0] =	wrdreg $0x0  }
0x20: {  	s4 =	sshll.u32 s28, $0x1;
	[dreg:$0x2] =	wrdreg s1  }
0x21: {  	[dreg:$0x3] =	wrdreg s4  }
0x22: {  	[dreg:$0x4] =	wrdreg $0xC0  }
0x23: {  	_ =	task [dreg:s6], $0x5FFFF  }
0x24: {  	[dreg:$0x1] =	wrdreg $0xFFFFFFFF  }
0x25: {  	[dreg:$0x0] =	wrdreg $0x60  }
0x26: {  	[dreg:$0x2] =	wrdreg s25  }
0x27: {  	[dreg:$0x3] =	wrdreg $0x9  }
0x28: {  	_ =	task.clear_ibuf [dreg:s6], $0x4FFFF;
	_ =	strace $0x90000046  }
0x29: {  	s29 =	simm.s32 $0x9;
	_ =	strace $0x80000048  }
0x2a: {  	_ =	swait.ge [sflag:s29], $0x1  }
0x2b: {  	[sflag:s29] =	ssyncadd.s32 $0xFFFFFFFF  }
0x2c: {  	_ =	strace $0x90000048  }
0x2d: {  	_ =	sfence  }
0x2e: {  	s30 =	sld [smem:$0x0];
	_ =	sdelay $0x2  }
0x2f: {  	s31 =	sshll.u32 s3, $0xD;
	s3 =	sshrl.u32 s3, $0x2  }
0x30: {  	s2 =	sand.u32 $0x4000, s31;
	s1 =	sadd.s32 s3, s30  }
0x31: {  	s0 =	sor.u32 s2, s0;
	s1 =	sshll.u32 s1, $0x11  }
0x32: {  	s0 =	sor.u32 s1, s0  }
0x33: {  	s0 =	sadd.s32 $0x8F2B, s0  }
0x34: {  	[sflag:s0] =	ssyncadd.remote.s32 $0x1  }
0x35: {  	_ =	sfence.sel $0xFFFF  }
0x36: {  	[dreg:$0x0] =	wrdreg $0xFFFFFFFF;
	(pc) =	sbr.abs _section_cstart, $3  }
0x37: {  	[dreg:$0x1] =	wrdreg $0xFFFFFFFF  }
0x38: {  	_ =	task.clear_ibuf [dreg:s6], $0x2FFFF;
	_ =	strace $0x9FFFFFFF  }
0x39: {  	(tm) =	ssettm $0x7FFFFFFF  }
tec
execute0_lowered:
.L_overlay_start_1:
0x0: {  	(tag) =	ssettag $0x1  }
0x1: {  	s0 =	srdreg.scid  }
0x2: {  	s5 =	rddreg [dreg:$0x0];
	s1 =	stileid.u32;
	s4 =	simm.s32 $0x1  }
0x3: {  	s6 =	simm.s32 $0x2;
	s8 =	simm.s32 $0x0;
	s2 =	sshll.u32 s0, $0x4  }
0x4: {  	s9 =	simm.s32 $0x0;
	s13 =	simm.s32 $0x0;
	s2 =	sand.u32 $0x10, s2  }
.Ltmp0:
0x5: {  	s10 =	simm.s32 $0x0;
	s3 =	sor.u32 s1, s2;
	(pc) =	sbr.rel .LBB1_1-.Ltmp0, $4  }
0x6: {  	s0 =	rddreg [dreg:$0x1];
	_ =	strace $0x80000047;
	s3 =	sshll.u32 s3, $0x4  }
0x7: {  	s12 =	simm.s32 $0x0;
	[sflag:s4] =	ssyncpa.u1 $0x0;
	s7 =	ssub.s32 $0x7A10, s3  }
0x8: {  	s2 =	sadd.s32 $0x1200, s5;
	[sflag:s6] =	ssyncpa.u1 $0x0;
	s6 =	sshrl.u32 s7, $0x9  }
0x9: {  	s5 =	sadd.s32 $0x3D1C00, s5;
	s11 =	smov.u32 s3;
	s7 =	sor.u32 $0x2, s6  }
.LBB1_7:
0xa: {  	s15 =	sshll.u32 s12, $0xF  }
0xb: {  	s15 =	sand.u32 $0x8000, s15  }
0xc: {  	s16 =	sshll.u32 s10, $0x7;
	s15 =	sshrl.u32 s15, $0x1  }
0xd: {  	s16 =	sadd.s32 s5, s16;
	s15 =	sor.u32 $0x8000, s15  }
0xe: {  	[hbm4b:s16+s8] =	stream.linear.scatter [tilespmem:s15], [sflag:$0x2], s14, $0x38;
	[tilespmem:$0x10000] =	vst v63  }
.LBB1_8:
0xf: {  	p0 =	slt.u32 s12, $0x2  }
0x10: {  	p1 =	sgt.s32 @!p0 s13, $0x7A02  }
0x11: {  	s14 =	smov.u32 s13;
	s15 =	sshra.s32 @!p0 s13, $0x1F;
	p1 =	por !p1, p0  }
0x12: {  	s13 =	sand.u32 @!p0 s15, s13;
	s14 =	simm.s32 @p1 $0x7A02  }
0x13: {  	s13 =	ssub.s32 @!p0 s14, s13  }
0x14: {  	s13 =	sadd.s32 @!p0 $0xFFFF85FE, s13  }
0x15: {  	s14 =	sshll.u32 @!p0 s13, $0xC  }
0x16: {  	p1 =	sgt.s32 @!p0 s13, $0xF;
	s13 =	ssub.s32 @!p0 $0x10000, s14  }
0x17: {  	s15 =	sadd.s32 $0x200, s11;
	p1 =	por !p1, p0;
	s13 =	sshrl.u32 @!p0 s13, $0x2  }
0x18: {  	s13 =	simm.s32 @!p1 $0x0;
	p1 =	sgt.s32 s15, $0x7A11  }
0x19: {  	s15 =	smov.u32 @p1 s3;
	p1 =	sne.s32 s12, s7  }
.Ltmp1:
0x1a: {  	_ = 	snop;
	(pc) =	sbr.rel @!p1 .LBB1_9-.Ltmp1, $4  }
0x1b: {  	s14 =	simm.s32 @!p0 $0x2  }
0x1c: {  	s9 =	sadd.s32 $0x8000, s9;
	_ =	swait.ge @!p0 [sflag:s14], s13;
	s16 =	ssub.s32 @!p0 $0x0, s13  }
0x1d: {  	s13 =	smov.u32 s10;
	s12 =	sadd.s32 $0x1, s12;
	[sflag:s14] =	ssyncset.done @!p0 $0x0  }
0x1e: {  	s10 =	smov.u32 s11;
	s11 =	smov.u32 s15;
	[sflag:s14] =	ssyncadd.s32 @!p0 s16  }
.LBB1_1:
0x1f: {  	p0 =	sgt.u32 s12, s6  }
0x20: {  	p1 =	sgt.s32 @!p0 s11, $0x7A02  }
0x21: {  	s14 =	smov.u32 s11;
	s15 =	sshra.s32 @!p0 s11, $0x1F;
	p1 =	por !p1, p0  }
0x22: {  	s15 =	sand.u32 @!p0 s15, s11;
	s14 =	simm.s32 @p1 $0x7A02  }
0x23: {  	s14 =	ssub.s32 @!p0 s14, s15  }
0x24: {  	s14 =	sadd.s32 @!p0 $0xFFFF85FE, s14  }
0x25: {  	s16 =	sshll.u32 @!p0 s11, $0x7;
	s17 =	simm.s32 @!p0 $0x0;
	s15 =	sshll.u32 @!p0 s14, $0xC  }
0x26: {  	p1 =	sgt.s32 @!p0 s14, $0xF;
	s14 =	ssub.s32 @!p0 $0x10000, s15;
	s15 =	sxor.u32 @!p0 $0xFFFFFFFF, s12  }
0x27: {  	p1 =	por !p1, p0;
	s14 =	sshrl.u32 @!p0 s14, $0x2;
	s15 =	sshll.u32 @!p0 s15, $0xE  }
0x28: {  	s16 =	sadd.s32 @!p0 s2, s16;
	s14 =	simm.s32 @!p1 $0x0;
	s15 =	sand.u32 @!p0 $0x4000, s15  }
0x29: {  	[tilespmem:s15], [sflag:$0x1] =	stream.linear.gather @!p0 [hbm4b:s16+s17], s14, $0x38;
	[tilespmem:$0x10000] =	vst v63  }
0x2a: {  	p0 =	seq.s32 s12, $0x0  }
0x2b: {  	p1 =	sge.u32 @!p0 s12, s7  }
0x2c: {  	p0 =	por p0, p1  }
.Ltmp2:
0x2d: {  	_ = 	snop;
	(pc) =	sbr.rel @p0 .LBB1_8-.Ltmp2, $1  }
0x2e: {  	_ =	sdelay $0x3  }
0x2f: {  	p0 =	sgt.s32 s10, $0x7A02;
	s14 =	smov.u32 s10;
	s15 =	sshra.s32 s10, $0x1F  }
0x30: {  	s14 =	simm.s32 @!p0 $0x7A02;
	s15 =	sand.u32 s15, s10  }
0x31: {  	s14 =	ssub.s32 s14, s15  }
0x32: {  	s16 =	sadd.s32 $0x10, s10;
	s14 =	sadd.s32 $0xFFFF85FE, s14  }
0x33: {  	p1 =	slt.s32 s16, $0x7A12;
	s30 =	sshll.u32 s14, $0xC  }
0x34: {  	s16 =	simm.s32 @!p1 $0x7A12;
	s15 =	ssub.s32 $0x10000, s30  }
0x35: {  	p0 =	sgt.s32 s14, $0xF;
	s14 =	sshrl.u32 s15, $0x2;
	s15 =	ssub.s32 s16, s10  }
0x36: {  	s14 =	simm.s32 @p0 $0x0;
	p0 =	slt.s32 s15, $0x1  }
.Ltmp3:
0x37: {  	_ = 	snop;
	(pc) =	sbr.rel @p0 .LBB1_7-.Ltmp3, $4  }
0x38: {  	_ = 	snop  }
0x39: {  	_ =	swait.ge [sflag:s4], s14  }
0x3a: {  	s31 =	ssub.s32 $0x0, s14;
	[sflag:s4] =	ssyncset.done $0x0  }
0x3b: {  	[sflag:s4] =	ssyncadd.s32 s31  }
0x3c: {  	s16 =	sshrl.u32 s9, $0x1  }
0x3d: {  	s17 =	sand.u32 $0x4000, s16  }
0x3e: {  	s18 =	simm.s32 $0x0;
	s16 =	sor.u32 $0x200, s17;
	s17 =	sor.u32 $0x8080, s17  }
.LBB1_4:
0x3f: {  	v0 =	vld [tilespmem:s16+$0xFFFFFE70]  }
0x40: {  	v1 =	vld [tilespmem:s16+$0x70]  }
0x41: {  	v2 =	vld [tilespmem:s16+$0x0]  }
0x42: {  	v3 =	vld [tilespmem:s16+$0xFFFFFE10]  }
0x43: {  	v4 =	vld [tilespmem:s16+$0x10]  }
0x44: {  	v5 =	vld [tilespmem:s16+$0xFFFFFE20]  }
0x45: {  	v7 =	vld [tilespmem:s16+$0x20]  }
0x46: {  	v11 =	vld [tilespmem:s16+$0x30];
	v6 =	vunpack.i.l.s16.s32 v0;
	v8 =	vunpack.i.u.s16.s32 v0;
	v9 =	vunpack.i.u.s16.s32 v1  }
0x47: {  	v10 =	vunpack.i.l.s16.s32 v1;
	v0 =	vunpack.i.u.s16.s32 v2;
	v1 =	vunpack.i.l.s16.s32 v2;
	v2 =	vld [tilespmem:s16+$0xFFFFFE30]  }
0x48: {  	v8 =	vpack.i.b32.b16 v9, v8;
	v9 =	vunpack.i.u.s16.s32 v3;
	v3 =	vunpack.i.l.s16.s32 v3  }
0x49: {  	v12 =	vld [tilespmem:s16+$0xFFFFFE40];
	v6 =	vpack.i.b32.b16 v10, v6;
	[tilespmem:s17+$0x70] =	vst v8;
	v8 =	vunpack.i.u.s16.s32 v4;
	v4 =	vunpack.i.l.s16.s32 v4  }
0x4a: {  	v13 =	vld [tilespmem:s16+$0x40];
	v10 =	vunpack.i.u.s16.s32 v5;
	v5 =	vunpack.i.l.s16.s32 v5;
	[tilespmem:s17+$0xFFFFFFF0] =	vst v6;
	v3 =	vpack.i.b32.b16 v4, v3  }
0x4b: {  	v6 =	vunpack.i.l.s16.s32 v7;
	v4 =	vld [tilespmem:s16+$0xFFFFFE50];
	[tilespmem:s17+$0xFFFFFF90] =	vst v3;
	v3 =	vpack.i.b32.b16 v8, v9;
	v8 =	vunpack.i.u.s16.s32 v7  }
0x4c: {  	v7 =	vunpack.i.l.s16.s32 v11;
	[tilespmem:s17+$0x10] =	vst v3;
	v3 =	vpack.i.b32.b16 v6, v5;
	v9 =	vunpack.i.u.s16.s32 v2;
	v6 =	vld [tilespmem:s16+$0x50]  }
0x4d: {  	v5 =	vunpack.i.l.s16.s32 v2;
	v2 =	vld [tilespmem:s16+$0xFFFFFE60];
	[tilespmem:s17+$0xFFFFFFA0] =	vst v3;
	v3 =	vpack.i.b32.b16 v8, v10;
	v10 =	vunpack.i.u.s16.s32 v11  }
0x4e: {  	s21 =	simm.s32 $0x0;
	v11 =	vpack.i.b32.b16 v7, v5;
	v7 =	vunpack.i.u.s16.s32 v12;
	v8 =	vunpack.i.l.s16.s32 v12;
	[tilespmem:s17+$0x20] =	vst v3;
	v3 =	vld [tilespmem:s16+$0x60]  }
0x4f: {  	s22 =	sadd.s32 $0x80, s16;
	s20 =	smov.u32 s17;
	s19 =	smov.u32 s17;
	v5 =	vld [tilespmem:s16+$0xFFFFFE00];
	[tilespmem:s17+$0xFFFFFFB0] =	vst v11;
	v10 =	vpack.i.b32.b16 v10, v9;
	v9 =	vunpack.i.u.s16.s32 v13;
	v11 =	vunpack.i.l.s16.s32 v13  }
.LBB1_5:
0x50: {  	v12 =	vld [tilespmem:s22+$0xFFFFFE70];
	[tilespmem:s20+$0x30] =	vst v10;
	v8 =	vpack.i.b32.b16 v11, v8;
	v10 =	vunpack.i.u.s16.s32 v4;
	v4 =	vunpack.i.l.s16.s32 v4  }
0x51: {  	s21 =	sadd.s32 $0x2, s21;
	v7 =	vpack.i.b32.b16 v9, v7;
	v11 =	vld [tilespmem:s22+$0x70];
	[tilespmem:s20+$0xFFFFFFC0] =	vst v8;
	v8 =	vunpack.i.u.s16.s32 v6;
	v6 =	vunpack.i.l.s16.s32 v6  }
0x52: {  	p0 =	slt.u32 s21, $0x6;
	v9 =	vld [tilespmem:s22+$0x0];
	[tilespmem:s20+$0x40] =	vst v7;
	v4 =	vpack.i.b32.b16 v6, v4;
	v6 =	vunpack.i.u.s16.s32 v2;
	v2 =	vunpack.i.l.s16.s32 v2  }
0x53: {  	v7 =	vld [tilespmem:s22+$0xFFFFFE10];
	[tilespmem:s20+$0xFFFFFFD0] =	vst v4;
	v4 =	vpack.i.b32.b16 v8, v10;
	v8 =	vunpack.i.u.s16.s32 v3;
	v3 =	vunpack.i.l.s16.s32 v3  }
0x54: {  	v10 =	vld [tilespmem:s22+$0x10];
	v13 =	vunpack.i.u.s16.s32 v5;
	v5 =	vunpack.i.l.s16.s32 v5;
	[tilespmem:s20+$0x50] =	vst v4;
	v2 =	vpack.i.b32.b16 v3, v2  }
0x55: {  	v3 =	vld [tilespmem:s22+$0xFFFFFE20];
	v4 =	vunpack.i.l.s16.s32 v12;
	v1 =	vpack.i.b32.b16 v1, v5;
	v5 =	vpack.i.b32.b16 v0, v13;
	[tilespmem:s20+$0xFFFFFFE0] =	vst v2  }
0x56: {  	v12 =	vunpack.i.u.s16.s32 v12;
	v2 =	vld [tilespmem:s22+$0x20];
	v13 =	vunpack.i.u.s16.s32 v11;
	v11 =	vunpack.i.l.s16.s32 v11;
	[tilespmem:s20+$0xFFFFFF80] =	vst v1  }
0x57: {  	s20 =	sadd.s32 $0x100, s20;
	v0 =	vunpack.i.u.s16.s32 v9;
	v1 =	vunpack.i.l.s16.s32 v9;
	v9 =	vld [tilespmem:s22+$0xFFFFFE30];
	v12 =	vpack.i.b32.b16 v13, v12;
	[tilespmem:s19+$0x0] =	vst v5  }
0x58: {  	v6 =	vpack.i.b32.b16 v8, v6;
	v5 =	vunpack.i.u.s16.s32 v7;
	v7 =	vunpack.i.l.s16.s32 v7;
	v13 =	vld [tilespmem:s22+$0x30];
	[tilespmem:s20+$0x70] =	vst v12  }
0x59: {  	v4 =	vpack.i.b32.b16 v11, v4;
	v8 =	vunpack.i.u.s16.s32 v10;
	v10 =	vunpack.i.l.s16.s32 v10;
	v12 =	vld [tilespmem:s22+$0xFFFFFE40];
	[tilespmem:s19+$0x60] =	vst v6;
	s19 =	smov.u32 s20  }
0x5a: {  	v6 =	vpack.i.b32.b16 v10, v7;
	v7 =	vunpack.i.u.s16.s32 v3;
	v3 =	vunpack.i.l.s16.s32 v3;
	v11 =	vld [tilespmem:s22+$0x40];
	[tilespmem:s20+$0xFFFFFFF0] =	vst v4  }
.Ltmp4:
0x5b: {  	v5 =	vpack.i.b32.b16 v8, v5;
	[tilespmem:s20+$0xFFFFFF90] =	vst v6;
	v8 =	vunpack.i.u.s16.s32 v2;
	v2 =	vunpack.i.l.s16.s32 v2;
	v4 =	vld [tilespmem:s22+$0xFFFFFE50];
	(pc) =	sbr.rel @p0 .LBB1_5-.Ltmp4, $4  }
0x5c: {  	[tilespmem:s20+$0x10] =	vst v5;
	v2 =	vpack.i.b32.b16 v2, v3;
	v10 =	vunpack.i.u.s16.s32 v9;
	v3 =	vunpack.i.l.s16.s32 v9;
	v6 =	vld [tilespmem:s22+$0x50]  }
0x5d: {  	v5 =	vpack.i.b32.b16 v8, v7;
	[tilespmem:s20+$0xFFFFFFA0] =	vst v2;
	v9 =	vunpack.i.u.s16.s32 v13;
	v7 =	vunpack.i.l.s16.s32 v13;
	v2 =	vld [tilespmem:s22+$0xFFFFFE60]  }
0x5e: {  	[tilespmem:s20+$0x20] =	vst v5;
	v13 =	vpack.i.b32.b16 v7, v3;
	v7 =	vunpack.i.u.s16.s32 v12;
	v8 =	vunpack.i.l.s16.s32 v12;
	v3 =	vld [tilespmem:s22+$0x60]  }
0x5f: {  	v10 =	vpack.i.b32.b16 v9, v10;
	v5 =	vld [tilespmem:s22+$0xFFFFFE00];
	[tilespmem:s20+$0xFFFFFFB0] =	vst v13;
	v9 =	vunpack.i.u.s16.s32 v11;
	v11 =	vunpack.i.l.s16.s32 v11;
	s22 =	sadd.s32 $0x80, s22  }
0x60: {  	[tilespmem:s20+$0x30] =	vst v10;
	v8 =	vpack.i.b32.b16 v11, v8  }
0x61: {  	v51 =	vunpack.i.l.s16.s32 v4;
	v7 =	vpack.i.b32.b16 v9, v7;
	[tilespmem:s20+$0xFFFFFFC0] =	vst v8;
	v52 =	vunpack.i.l.s16.s32 v6  }
0x62: {  	v53 =	vunpack.i.u.s16.s32 v4;
	s18 =	sadd.s32 $0x1, s18;
	v54 =	vunpack.i.u.s16.s32 v6;
	[tilespmem:s20+$0x40] =	vst v7;
	v55 =	vpack.i.b32.b16 v52, v51  }
0x63: {  	p0 =	sne.s32 s18, s15;
	v56 =	vunpack.i.l.s16.s32 v2;
	v4 =	vpack.i.b32.b16 v54, v53;
	[tilespmem:s20+$0xFFFFFFD0] =	vst v55;
	v57 =	vunpack.i.l.s16.s32 v3  }
.Ltmp5:
0x64: {  	[tilespmem:s20+$0x50] =	vst v4;
	v58 =	vunpack.i.l.s16.s32 v5;
	v59 =	vpack.i.b32.b16 v57, v56;
	(pc) =	sbr.rel @p0 .LBB1_4-.Ltmp5, $4  }
.Ltmp6:
0x65: {  	v61 =	vunpack.i.u.s16.s32 v2;
	v62 =	vunpack.i.u.s16.s32 v3;
	v1 =	vpack.i.b32.b16 v1, v58;
	[tilespmem:s20+$0xFFFFFFE0] =	vst v59;
	(pc) =	sbr.rel @!p0 .LBB1_7-.Ltmp6, $4  }
0x66: {  	v60 =	vunpack.i.u.s16.s32 v5;
	v63 =	vpack.i.b32.b16 v62, v61;
	[tilespmem:s20+$0xFFFFFF80] =	vst v1  }
0x67: {  	v0 =	vpack.i.b32.b16 v0, v60;
	[tilespmem:s19+$0x60] =	vst v63  }
0x68: {  	s16 =	sadd.s32 $0x400, s16;
	s17 =	sadd.s32 $0x400, s17;
	[tilespmem:s19+$0x0] =	vst v0  }
0x69: {  	_ = 	snop  }
.LBB1_9:
0x6a: {  	_ =	sfence.sel $0x180000  }
0x6b: {  	s2 =	simm.s32 $0x1;
	[bflag:$0x0] =	sbarrier.arrive $0xFFFF  }
0x6c: {  	s31 =	simm.s32 $0x2;
	[sflag:s2] =	ssyncpa.u1 $0x1  }
0x6d: {  	[sflag:s31] =	ssyncpa.u1 $0x1  }
0x6e: {  	p0 =	sne.s32 s1, $0x0;
	_ =	strace $0x90000047  }
0x6f: {  	s0 =	sadd.s32 @!p0 $0x100000, s0;
	[bflag:$0x2] =	sbarrier.arrive $0xFFFF  }
0x70: {  	[sflag:s0] =	ssyncadd.tile.s32 @!p0 $0x1;
	_ =	shalt  }
.Lfunc_end1:
_tile_overlayer_lowered:
.L_overlay_start_2:
0x71: {  	(tag) =	ssettag $0x2  }
0x72: {  	s0 =	rddreg [dreg:$0x0];
	s2 =	stileid.u32  }
0x73: {  	s1 =	rddreg [dreg:$0x1];
	p0 =	sne.s32 s2, $0x0  }
0x74: {  	s3 =	rddreg [dreg:$0x2];
	[bflag:$0x3] =	sbarrier.arrive $0xFFFF;
	s2 =	simm.s32 @!p0 $0x1C01  }
0x75: {  	[timem:s3], [sflag:s2] =	dma.local @!p0 [hbm:s0], s1  }
0x76: {  	s0 =	simm.s32 @!p0 $0x1  }
0x77: {  	_ =	swait.ge @!p0 [sflag:s0], s1  }
0x78: {  	s1 =	ssub.s32 @!p0 $0x0, s1;
	[sflag:s0] =	ssyncset.done @!p0 $0x0  }
0x79: {  	[sflag:s0] =	ssyncadd.s32 @!p0 s1  }
0x7a: {  	[bflag:$0x3] =	sbarrier.arrive $0xFFFF  }
0x7b: {  	_ =	shalt  }

// kernel: sparse-core-data-format-call.cloned.1.call-start
scs
called_computation_lowered:
.L_overlay_start_0:
0x0: {  	s2 =	sld [smem:$0x3FD9]  }
0x1: {  	s3 =	sld [smem:$0x3FFE];
	_ =	sdelay $0x1  }
0x2: {  	s1 =	srdreg.scid  }
0x3: {  	s0 =	sand.u32 $0x1, s1  }
0x4: {  	s18 =	sshll.u32 s0, $0xA;
	s2 =	sadd.s32 s3, s2  }
0x5: {  	s2 =	sadd.s32 s2, s18  }
0x6: {  	[smem:$0x3FC6] =	sst s2  }
0x7: {  	_ = 	snop  }
0x8: {  	s2 =	sld [smem:$0x3FD0];
	(tm) =	ssettm $0x1  }
0x9: {  	s19 =	sld [smem:$0x3FFB];
	_ =	sdelay $0x3  }
0xa: {  	_ =	strace s19  }
0xb: {  	s3 =	sld [smem:$0x3FFC];
	_ =	sdelay $0x3  }
0xc: {  	_ =	strace s3  }
0xd: {  	s3 =	sld [smem:$0x3FFD];
	_ =	sdelay $0x3  }
0xe: {  	_ =	strace s3  }
0xf: {  	_ =	strace $0x8FFFFFFF  }
0x10: {  	s20 =	sld [smem:$0x3FDB];
	_ =	sdelay $0x1  }
0x11: {  	s4 =	simm.s32 $_scs_section_size  }
0x12: {  	s5 =	simm.s32 $_size__tile_overlayer_lowered;
	s6 =	simm.s32 $_tile_overlayer_lowered  }
0x13: {  	s23 =	simm.s32 $0x1BFF;
	s22 =	sshll.u32 s6, $0x1;
	s3 =	sadd.s32 s4, s20  }
0x14: {  	s7 =	simm.s32 $0x0;
	s21 =	sshll.u32 s5, $0x1;
	s5 =	sadd.s32 s22, s3  }
0x15: {  	[timem:s7], [sflag:s23] =	dma.local [hbm:s5], s21  }
0x16: {  	_ =	swait.ge [sflag:s23], s21  }
0x17: {  	s4 =	ssub.s32 $0x0, s21;
	[sflag:s23] =	ssyncset.done $0x0  }
0x18: {  	[sflag:s23] =	ssyncadd.s32 s4;
	_ =	sdelay $0x1  }
0x19: {  	s24 =	simm.s32 $0x1B8B  }
0x1a: {  	_ =	swait.ge [sflag:s24], $0x1  }
0x1b: {  	[sflag:s24] =	ssyncset.done $0x0  }
0x1c: {  	s26 =	simm.s32 $0x1B8E;
	s25 =	sld [smem:$0x3FFE];
	[sflag:s24] =	ssyncadd.s32 $0xFFFFFFFF  }
0x1d: {  	s27 =	simm.s32 $execute0_lowered;
	[smem:$0x3FD2] =	sst s26  }
0x1e: {  	s5 =	sshll.u32 s27, $0x1;
	_ =	strace $0x8000004F;
	[dreg:$0x1] =	wrdreg $0xFFFFFFFF  }
0x1f: {  	s28 =	simm.s32 $_size_execute0_lowered;
	s3 =	sadd.s32 s3, s5;
	[dreg:$0x0] =	wrdreg $0x0  }
0x20: {  	s5 =	sshll.u32 s28, $0x1;
	[dreg:$0x2] =	wrdreg s3  }
0x21: {  	[dreg:$0x3] =	wrdreg s5  }
0x22: {  	[dreg:$0x4] =	wrdreg $0xC0  }
0x23: {  	_ =	task [dreg:s7], $0x5FFFF  }
0x24: {  	[dreg:$0x1] =	wrdreg $0xFFFFFFFF  }
0x25: {  	[dreg:$0x0] =	wrdreg $0x60  }
0x26: {  	[dreg:$0x2] =	wrdreg s25  }
0x27: {  	[dreg:$0x3] =	wrdreg s2  }
0x28: {  	[dreg:$0x4] =	wrdreg $0x9  }
0x29: {  	_ =	task.clear_ibuf [dreg:s7], $0x5FFFF;
	_ =	strace $0x9000004F  }
0x2a: {  	s29 =	simm.s32 $0x9;
	_ =	strace $0x80000051  }
0x2b: {  	_ =	swait.ge [sflag:s29], $0x1  }
0x2c: {  	[sflag:s29] =	ssyncadd.s32 $0xFFFFFFFF  }
0x2d: {  	_ =	strace $0x90000051  }
0x2e: {  	_ =	sfence  }
0x2f: {  	s30 =	sld [smem:$0x0];
	_ =	sdelay $0x2  }
0x30: {  	s31 =	sshll.u32 s1, $0xD;
	s1 =	sshrl.u32 s1, $0x2  }
0x31: {  	s3 =	sand.u32 $0x4000, s31;
	s1 =	sadd.s32 s1, s30  }
0x32: {  	s0 =	sor.u32 s3, s0;
	s1 =	sshll.u32 s1, $0x11  }
0x33: {  	s0 =	sor.u32 s1, s0  }
0x34: {  	s0 =	sadd.s32 $0x8F2B, s0  }
0x35: {  	[sflag:s0] =	ssyncadd.remote.s32 $0x1  }
0x36: {  	_ =	sfence.sel $0xFFFF  }
0x37: {  	[dreg:$0x0] =	wrdreg $0xFFFFFFFF;
	(pc) =	sbr.abs _section_cstart, $3  }
0x38: {  	[dreg:$0x1] =	wrdreg $0xFFFFFFFF  }
0x39: {  	_ =	task.clear_ibuf [dreg:s7], $0x2FFFF;
	_ =	strace $0x9FFFFFFF  }
0x3a: {  	(tm) =	ssettm $0x7FFFFFFF  }
0x3b: {  	_ =	shalt  }
tec
execute0_lowered:
.L_overlay_start_1:
0x0: {  	(tag) =	ssettag $0x1  }
0x1: {  	s0 =	srdreg.scid  }
0x2: {  	s1 =	sshll.u32 s0, $0x4  }
0x3: {  	s0 =	stileid.u32;
	s1 =	sand.u32 $0x10, s1  }
0x4: {  	s1 =	sor.u32 s0, s1  }
0x5: {  	s6 =	rddreg [dreg:$0x0];
	s4 =	simm.s32 $0x1;
	s2 =	sshll.u32 s1, $0x7  }
0x6: {  	s7 =	simm.s32 $0x2;
	s13 =	simm.s32 $0x0;
	s1 =	ssub.s32 $0x4000, s2  }
0x7: {  	s8 =	simm.s32 $0x10000;
	s12 =	simm.s32 $0x0;
	s3 =	sand.u32 $0xF80, s1  }
0x8: {  	s9 =	simm.s32 $0x0;
	s5 =	sshrl.u32 s1, $0xC;
	p0 =	sne.s32 s3, $0x0  }
.Ltmp0:
0x9: {  	s1 =	rddreg [dreg:$0x2];
	s4 =	simm.s32 @!p0 $0x0;
	(pc) =	sbr.rel .LBB1_1-.Ltmp0, $4  }
0xa: {  	s11 =	simm.s32 $0x0;
	s3 =	rddreg [dreg:$0x1];
	s5 =	sadd.s32 s4, s5  }
0xb: {  	_ =	strace $0x80000050;
	s4 =	simm.s32 $0x1;
	s5 =	smul.u32 $0x19, s5  }
0xc: {  	s6 =	sadd.s32 $0x321200, s6;
	s10 =	smov.u32 s2;
	[sflag:s4] =	ssyncpa.u1 $0x0  }
0xd: {  	p0 =	por $0x0, $0x0;
	[sflag:s7] =	ssyncpa.u1 $0x0;
	s7 =	sadd.s32 $0x1, s5  }
.LBB1_4:
0xe: {  	v1 =	vperm.xlane.i2c.b16 v1;
	v0 =	vperm.xlane.i2c.b16 v0  }
0xf: {  	v2 =	vperm.xlane.i2c.b16 v2;
	v3 =	vperm.xlane.i2c.b16 v3  }
0x10: {  	[tilespmem:s16+$0x0 ss:$0x81] =	vst.msk $0xffff, v5;
	s17 =	sshra.s32 s17, $0x2;
	s18 =	sshll.u32 s12, $0x3;
	s19 =	sshll.u32 s12, $0x1;
	v62 =	vcombine.low v0, v1  }
0x11: {  	s13 =	sshll.u32 s13, $0x10;
	s30 =	sshrl.u32 s12, $0x1;
	[tilespmem:s16+$0x1020 ss:$0x81] =	vst.msk $0xffff, v4;
	s15 =	sadd.s32 s17, s15;
	v63 =	vcombine.low v3, v2  }
0x12: {  	s31 =	sand.u32 $0x7, s12;
	s28 =	sand.u32 $0xF0, s19;
	s29 =	sand.u32 $0x3C00, s18;
	v0 =	vcombine.high v0, v1;
	[tilespmem:s15+$0x810 ss:$0x81] =	vst.msk $0xffff, v62  }
0x13: {  	s17 =	sand.u32 $0xFC00, s30;
	s13 =	sadd.s32 s3, s13;
	s16 =	sor.u32 s28, s29;
	v2 =	vcombine.high v3, v2;
	[tilespmem:s15+$0x0 ss:$0x81] =	vst.msk $0xffff, v63  }
0x14: {  	s12 =	sshll.u32 s31, $0x12;
	s13 =	sadd.s32 s17, s13;
	s16 =	sshrl.u32 s16, $0x4;
	[tilespmem:s15+$0x1830 ss:$0x81] =	vst.msk $0xffff, v0  }
0x15: {  	s12 =	sor.u32 $0x200, s12;
	s13 =	sadd.s32 s16, s13;
	[tilespmem:s15+$0x1020 ss:$0x81] =	vst.msk $0xffff, v2  }
0x16: {  	[hbm4b:s13+s12] =	stream.strided.scatter [tilespmem:s14], [sflag:$0x2], $0x2000, s8, s12, $0x20;
	[tilespmem:$0x8080] =	vst v63  }
.LBB1_5:
0x17: {  	s14 =	sadd.s32 $0x2, s9  }
0x18: {  	s12 =	sadd.s32 $0x1000, s10;
	s16 =	smov.u32 s10;
	p2 =	sgt.s32 s14, $0x31  }
0x19: {  	s16 =	smov.u32 @p2 s12  }
0x1a: {  	s14 =	simm.s32 @p2 $0x0;
	p2 =	sgt.s32 s16, $0x3FFF  }
0x1b: {  	s16 =	smov.u32 @p2 s2;
	p2 =	sne.s32 s11, s7  }
.Ltmp1:
0x1c: {  	p1 =	slt.u32 s11, $0x2;
	(pc) =	sbr.rel @!p2 .LBB1_6-.Ltmp1, $4  }
0x1d: {  	s15 =	simm.s32 @!p1 $0x2  }
0x1e: {  	s13 =	smov.u32 s9;
	p0 =	por !p0, !p0;
	_ =	swait.ge @!p1 [sflag:s15], $0x2000  }
0x1f: {  	s12 =	smov.u32 s10;
	[sflag:s15] =	ssyncset.done @!p1 $0x0;
	s9 =	smov.u32 s14  }
0x20: {  	s11 =	sadd.s32 $0x1, s11;
	[sflag:s15] =	ssyncadd.s32 @!p1 $0xFFFFE000;
	s10 =	smov.u32 s16  }
.LBB1_1:
0x21: {  	p1 =	sge.u32 s11, s5  }
0x22: {  	s14 =	sand.u32 @!p1 $0x1FFFFFE, s9  }
0x23: {  	s15 =	smulhi.u32 @!p1 $0x4924925, s14;
	_ =	sdelay $0x1  }
0x24: {  	s15 =	smul.u32 @!p1 $0x38, s15  }
0x25: {  	s31 =	sadd.s32 $0xFFFFFFFF, s11;
	s16 =	smul.u32 @!p1 $0x1C0, s10  }
0x26: {  	s17 =	simm.s32 @!p1 $0xE00;
	s14 =	ssub.s32 @!p1 s14, s15;
	s15 =	sxor.u32 @!p1 $0xFFFFFFFF, s11  }
0x27: {  	s16 =	sadd.s32 @!p1 s6, s16;
	s14 =	sshll.u32 @!p1 s14, $0x3;
	s15 =	sshll.u32 @!p1 s15, $0xD  }
0x28: {  	s14 =	sadd.s32 @!p1 s14, s16;
	s15 =	sand.u32 @!p1 $0x2000, s15;
	s16 =	simm.s32 @!p1 $0x40  }
0x29: {  	[tilespmem:s15], [sflag:$0x1] =	stream.strided.gather @!p1 [hbm4b:s14+s16], $0x2000, s17, s16, $0x38;
	[tilespmem:$0x8080] =	vst v63  }
0x2a: {  	p1 =	sge.u32 s31, s5  }
.Ltmp2:
0x2b: {  	_ = 	snop;
	(pc) =	sbr.rel @p1 .LBB1_5-.Ltmp2, $1  }
0x2c: {  	_ =	sdelay $0x3  }
0x2d: {  	s14 =	simm.s32 $0x1  }
0x2e: {  	_ =	swait.ge [sflag:s4], $0x2000;
	s14 =	simm.s32 @!p0 $0x0  }
0x2f: {  	[sflag:s4] =	ssyncset.done $0x0;
	s15 =	sshll.u32 s14, $0xD  }
0x30: {  	[sflag:s4] =	ssyncadd.s32 $0xFFFFE000;
	s15 =	sor.u32 $0x20, s15  }
0x31: {  	v0 =	vld [tilespmem:s15+$0x0]  }
0x32: {  	v1 =	vld [tilespmem:s15+$0x10]  }
0x33: {  	v2 =	vld [tilespmem:s15+$0xFFFFFFF0]  }
0x34: {  	v3 =	vld [tilespmem:s15+$0xFFFFFFE0];
	_ =	sdelay $0x1  }
0x35: {  	s14 =	smul.u32 $0x8100, s14;
	s19 =	sadd.s32 $0x40, s15  }
0x36: {  	s16 =	sand.u32 $0x1, s11;
	v4 =	vperm.xlane.i2c.b16 v1;
	v5 =	vperm.xlane.i2c.b16 v0;
	v0 =	vld [tilespmem:s19+$0x0]  }
0x37: {  	s16 =	smul.u32 $0x8100, s16;
	s14 =	sshrl.u32 s14, $0x2;
	v6 =	vperm.xlane.i2c.b16 v2;
	v1 =	vld [tilespmem:s19+$0x10]  }
0x38: {  	s15 =	sor.u32 $0x4000, s14;
	v8 =	vperm.xlane.i2c.b16 v3;
	v2 =	vld [tilespmem:s19+$0xFFFFFFF0];
	v7 =	vcombine.low v5, v4  }
0x39: {  	s31 =	sshrl.u32 s16, $0x2;
	s16 =	sadd.s32 $0x0, s15;
	v3 =	vld [tilespmem:s19+$0xFFFFFFE0];
	v9 =	vcombine.high v5, v4  }
0x3a: {  	s17 =	simm.s32 $0x4;
	v5 =	vcombine.low v8, v6;
	[tilespmem:s16+$0x810 ss:$0x81] =	vst.msk $0xffff, v7  }
0x3b: {  	s18 =	simm.s32 $0x8;
	s14 =	sor.u32 $0x4000, s31;
	s19 =	sadd.s32 $0x40, s19;
	v4 =	vcombine.high v8, v6;
	[tilespmem:s16+$0x1830 ss:$0x81] =	vst.msk $0xffff, v9  }
.LBB1_3:
0x3c: {  	v6 =	vperm.xlane.i2c.b16 v1;
	v7 =	vperm.xlane.i2c.b16 v0;
	v0 =	vld [tilespmem:s19+$0x0];
	[tilespmem:s16+$0x0 ss:$0x81] =	vst.msk $0xffff, v5;
	s20 =	smov.u32 s18;
	p1 =	sne.s32 s18, $0x1FC  }
.Ltmp3:
0x3d: {  	v8 =	vperm.xlane.i2c.b16 v2;
	v1 =	vld [tilespmem:s19+$0x10];
	[tilespmem:s16+$0x1020 ss:$0x81] =	vst.msk $0xffff, v4;
	(pc) =	sbr.rel @p1 .LBB1_3-.Ltmp3, $4  }
0x3e: {  	s18 =	sadd.s32 $0x4, s18;
	v4 =	vperm.xlane.i2c.b16 v3;
	s16 =	sshra.s32 s17, $0x2;
	v2 =	vld [tilespmem:s19+$0xFFFFFFF0];
	v9 =	vcombine.low v7, v6  }
0x3f: {  	s17 =	smov.u32 s20;
	s16 =	sadd.s32 s16, s15;
	v6 =	vcombine.high v7, v6;
	v3 =	vld [tilespmem:s19+$0xFFFFFFE0]  }
0x40: {  	v5 =	vcombine.low v4, v8;
	v4 =	vcombine.high v4, v8;
	[tilespmem:s16+$0x810 ss:$0x81] =	vst.msk $0xffff, v9  }
0x41: {  	s19 =	sadd.s32 $0x40, s19;
	[tilespmem:s16+$0x1830 ss:$0x81] =	vst.msk $0xffff, v6  }
.Ltmp4:
0x42: {  	_ = 	snop;
	(pc) =	sbr.rel .LBB1_4-.Ltmp4, $1  }
0x43: {  	_ =	sdelay $0x3  }
.LBB1_6:
0x44: {  	_ =	sfence.sel $0x180000  }
0x45: {  	s2 =	simm.s32 $0x1;
	[bflag:$0x0] =	sbarrier.arrive $0xFFFF  }
0x46: {  	s31 =	simm.s32 $0x2;
	[sflag:s2] =	ssyncpa.u1 $0x1  }
0x47: {  	[sflag:s31] =	ssyncpa.u1 $0x1  }
0x48: {  	p0 =	sne.s32 s0, $0x0;
	_ =	strace $0x90000050  }
0x49: {  	s0 =	sadd.s32 @!p0 $0x100000, s1;
	[bflag:$0x2] =	sbarrier.arrive $0xFFFF  }
0x4a: {  	[sflag:s0] =	ssyncadd.tile.s32 @!p0 $0x1;
	_ =	shalt  }
.Lfunc_end1:
_tile_overlayer_lowered:
.L_overlay_start_2:
0x4b: {  	(tag) =	ssettag $0x2  }
0x4c: {  	s0 =	rddreg [dreg:$0x0];
	s2 =	stileid.u32  }
0x4d: {  	s1 =	rddreg [dreg:$0x1];
	p0 =	sne.s32 s2, $0x0  }
0x4e: {  	s3 =	rddreg [dreg:$0x2];
	[bflag:$0x3] =	sbarrier.arrive $0xFFFF;
	s2 =	simm.s32 @!p0 $0x1C01  }
0x4f: {  	[timem:s3], [sflag:s2] =	dma.local @!p0 [hbm:s0], s1  }
0x50: {  	s0 =	simm.s32 @!p0 $0x1  }
0x51: {  	_ =	swait.ge @!p0 [sflag:s0], s1  }
0x52: {  	s1 =	ssub.s32 @!p0 $0x0, s1;
	[sflag:s0] =	ssyncset.done @!p0 $0x0  }
0x53: {  	[sflag:s0] =	ssyncadd.s32 @!p0 s1  }
0x54: {  	[bflag:$0x3] =	sbarrier.arrive $0xFFFF  }
0x55: {  	_ =	shalt  }

</sc_bundles>
